<compile_context>
chip_gen: v7x
topology: tpu7x:2x2x1
jax: 0.10.2.dev20260603
libtpu: 0.0.44.dev20260713+nightly
codegen_flags: <defaults>
</compile_context>

<pallas_src>
import functools

import jax
import jax.numpy as jnp
import numpy as np
from jax import lax
from jax.experimental import pallas as pl
from jax.experimental.pallas import tpu as pltpu
from jax.experimental.pallas import tpu_sc as plsc

NSF = 16
N_NODES = 10000
N_EDGES = 320000
TPW = 128
ACC_W = 80
NORM = 1.0 / np.sqrt(NSF)

NW = 32
PER_TILE = N_EDGES // NW
CH = 80
KF = 5
ROWS_OUT = CH * KF
OUT_ITERS = PER_TILE // ROWS_OUT
NCHUNK = PER_TILE // CH
NPT = N_NODES // 16


BLK = 3200

_F32 = jnp.float32


def _consts():
    p = np.arange(2 * NSF * NSF)
    R = np.zeros((NSF, 2 * NSF * NSF), np.float32)
    R[(p % 256) // NSF, p] = 1.0
    P = np.zeros((2 * NSF * NSF, 2 * NSF), np.float32)
    P[p, np.where(p < 256, 0, NSF) + p % NSF] = NORM
    E16 = np.zeros((NSF, 3 * NSF), np.float32)
    E3 = np.zeros((3, 3 * NSF), np.float32)
    for j in range(NSF):
        for c in range(3):
            E16[j, 3 * j + c] = 1.0
            E3[c, 3 * j + c] = 1.0
    ones = np.zeros((1, NSF), np.float32)
    ones[0, 0] = 1.0
    return (jnp.asarray(R), jnp.asarray(P), jnp.asarray(E16), jnp.asarray(E3),
            jnp.asarray(ones))


def _node_mlp_body(x_ref, w1_ref, b1_ref, w2_ref, b2_ref, ws_ref, wd_ref,
                   t_ref):
    t = jnp.maximum(
        jnp.dot(x_ref[...], w1_ref[...], preferred_element_type=_F32)
        + b1_ref[...], 0.0)
    h = (jnp.dot(t, w2_ref[...], preferred_element_type=_F32)
         + b2_ref[...])
    a = jnp.dot(h, ws_ref[...], preferred_element_type=_F32)
    b = jnp.dot(h, wd_ref[...], preferred_element_type=_F32)
    t_ref[:N_NODES, :] = jnp.concatenate([a, h], axis=-1)
    t_ref[N_NODES:, :] = jnp.concatenate(
        [b, jnp.zeros((N_NODES, NSF), _F32)], axis=-1)


def _node_mlp(x, Wn1, bn1, Wn2, bn2, Wf1):
    return pl.pallas_call(
        _node_mlp_body,
        out_shape=jax.ShapeDtypeStruct((2 * N_NODES, 4 * NSF), _F32),
    )(x, Wn1, bn1.reshape(1, -1), Wn2, bn2.reshape(1, -1),
      Wf1[NSF:2 * NSF], Wf1[2 * NSF:])


_MESH = plsc.VectorSubcoreMesh(core_axis_name="c", subcore_axis_name="s")


@functools.partial(
    pl.kernel,
    out_type=jax.ShapeDtypeStruct((N_EDGES, 128), _F32),
    mesh=_MESH,
    scratch_types=[
        pltpu.VMEM((NCHUNK, CH), jnp.int32),
        pltpu.VMEM((NCHUNK, CH), jnp.int32),
        pltpu.VMEM((ROWS_OUT, 4 * NSF), _F32),
        pltpu.VMEM((ROWS_OUT, 4 * NSF), _F32),
        pltpu.SemaphoreType.DMA,
        pltpu.SemaphoreType.DMA,
    ],
    compiler_params=pltpu.CompilerParams(use_tc_tiling_on_sc=False),
)
def _sc_gather(tab_hbm, src_hbm, dstn_hbm, hsab_hbm,
               idx_s, idx_d, st_s, st_d, sem_s, sem_d):
    c = lax.axis_index("c")
    s = lax.axis_index("s")
    wid = s * 2 + c
    base = wid * PER_TILE
    pltpu.sync_copy(src_hbm.at[wid], idx_s)
    pltpu.sync_copy(dstn_hbm.at[wid], idx_d)

    def outer(j, carry):
        cps = []
        for b in range(KF):
            k = j * KF + b
            cps.append(pltpu.async_copy(
                tab_hbm.at[idx_s.at[k]], st_s.at[pl.ds(b * CH, CH)], sem_s))
            cps.append(pltpu.async_copy(
                tab_hbm.at[idx_d.at[k]], st_d.at[pl.ds(b * CH, CH)], sem_d))
        for cp in cps:
            cp.wait()
        row0 = base + j * ROWS_OUT
        pltpu.sync_copy(st_s,
                        hsab_hbm.at[pl.ds(row0, ROWS_OUT), pl.ds(0, 4 * NSF)])
        pltpu.sync_copy(
            st_d, hsab_hbm.at[pl.ds(row0, ROWS_OUT), pl.ds(4 * NSF, 4 * NSF)])
        return carry

    lax.fori_loop(0, OUT_ITERS, outer, 0)


def _edge_body(ea_ref, hsab_ref,
               We1_ref, be1_ref, We2_ref, be2_ref,
               bf1_ref, Wf1e_ref, Wf2_ref, bf2_ref,
               R_ref, P_ref, E16_ref, E3_ref, ones_ref, tp_ref):
    pet = dict(preferred_element_type=_F32)
    bf = jnp.bfloat16
    ea = ea_ref[...]
    attr = ea[:, :80]
    sh = ea[:, 80:84].astype(_F32)
    hsab = hsab_ref[...]
    a = hsab[:, : 3 * NSF]
    hs = hsab[:, 3 * NSF: 4 * NSF]
    b = hsab[:, 4 * NSF: 7 * NSF]
    t = jnp.maximum(
        jnp.dot(attr, We1_ref[...], **pet) + be1_ref[...], 0.0)
    e = jnp.dot(t.astype(bf), We2_ref[...], **pet) + be2_ref[...]
    g = jnp.maximum(
        jnp.dot(e.astype(bf), Wf1e_ref[...], **pet) + a + b + bf1_ref[...],
        0.0)
    w = (jnp.dot(g.astype(bf), Wf2_ref[...], **pet)
         + bf2_ref[...]).astype(bf)
    m = w * jnp.dot(hs.astype(bf), R_ref[...], **pet).astype(bf)
    sred = jnp.dot(m, P_ref[...], **pet)
    o0 = sred[:, :NSF] * sh[:, 0:1]
    o1 = (jnp.dot(sred[:, NSF:].astype(bf), E16_ref[...], **pet)
          * jnp.dot(ea[:, 81:84], E3_ref[...], **pet))
    tp_ref[:, : 4 * NSF] = jnp.concatenate([o0, o1], axis=-1)
    tp_ref[:, 4 * NSF: 5 * NSF] = jnp.broadcast_to(ones_ref[...], (BLK, NSF))


def _edge_compute(ea128, hsab, We1, be1, We2, be2,
                  Wf1, bf1, Wf2, bf2, R, P, E16, E3, ones):
    grid = (N_EDGES // BLK,)
    blk = lambda r, c: pl.BlockSpec((r, c), lambda i: (i, 0))
    full = lambda a: pl.BlockSpec(a.shape, lambda i: (0,) * a.ndim)
    bf = jnp.bfloat16
    args = (ea128, hsab,
            We1.astype(bf), be1.reshape(1, -1), We2.astype(bf),
            be2.reshape(1, -1), bf1.reshape(1, -1),
            Wf1[:NSF].astype(bf), Wf2.astype(bf),
            bf2.reshape(1, -1).astype(bf),
            R.astype(bf), P.astype(bf), E16.astype(bf), E3.astype(bf), ones)
    in_specs = [blk(BLK, 128), blk(BLK, 128)] + [full(a) for a in args[2:]]
    return pl.pallas_call(
        _edge_body,
        grid=grid,
        in_specs=in_specs,
        out_specs=blk(BLK, TPW),
        out_shape=jax.ShapeDtypeStruct((N_EDGES, TPW), _F32),
    )(*args)


@functools.partial(
    pl.kernel,
    out_type=jax.ShapeDtypeStruct((2 * N_NODES, ACC_W), _F32),
    mesh=_MESH,
    scratch_types=[
        pltpu.VMEM((NCHUNK, CH), jnp.int32),
        pltpu.VMEM((ROWS_OUT, ACC_W), _F32),
        pltpu.VMEM_SHARED((N_NODES, ACC_W), _F32),
    ],
    compiler_params=pltpu.CompilerParams(use_tc_tiling_on_sc=False),
)
def _sc_scatter(tp_hbm, dst_hbm, zero_hbm, part_hbm, idx_d, rows, acc):
    c = lax.axis_index("c")
    s = lax.axis_index("s")
    wid = s * 2 + c
    base = wid * PER_TILE
    pltpu.sync_copy(zero_hbm.at[pl.ds(s * NPT, NPT)], acc.at[pl.ds(s * NPT, NPT)])
    pltpu.sync_copy(dst_hbm.at[wid], idx_d)
    plsc.subcore_barrier()

    def outer(j, carry):
        pltpu.sync_copy(
            tp_hbm.at[pl.ds(base + j * ROWS_OUT, ROWS_OUT), pl.ds(0, ACC_W)],
            rows)
        for b in range(KF):
            pltpu.sync_copy(rows.at[pl.ds(b * CH, CH)],
                            acc.at[idx_d.at[j * KF + b]], add=True)
        return carry

    lax.fori_loop(0, OUT_ITERS, outer, 0)
    plsc.subcore_barrier()
    pltpu.sync_copy(acc.at[pl.ds(s * NPT, NPT)],
                    part_hbm.at[pl.ds(c * N_NODES + s * NPT, NPT)])


def _combine_body(p_ref, out_ref):
    p = p_ref[0] + p_ref[1]
    cnt = p[:, 4 * NSF:4 * NSF + 1]
    out_ref[...] = p[:, :4 * NSF] / jnp.maximum(cnt, 1.0)


def _combine(parts):
    return pl.pallas_call(
        _combine_body,
        out_shape=jax.ShapeDtypeStruct((N_NODES, 4 * NSF), _F32),
    )(parts.reshape(2, N_NODES, ACC_W))


def kernel(x, edge_index, edge_attr, edge_sh, Wn1, bn1, Wn2, bn2,
           We1, be1, We2, be2, Wf1, bf1, Wf2, bf2):
    src = edge_index[0].reshape(NW, NCHUNK, CH)
    dstn = (edge_index[1] + N_NODES).reshape(NW, NCHUNK, CH)
    dst = edge_index[1].reshape(NW, NCHUNK, CH)
    R, P, E16, E3, ones = _consts()

    tab = _node_mlp(x, Wn1, bn1, Wn2, bn2, Wf1)
    hsab = _sc_gather(tab, src, dstn)
    ea128 = jnp.concatenate(
        [edge_attr, edge_sh, jnp.zeros((N_EDGES, 39), _F32)],
        axis=1).astype(jnp.bfloat16)
    tp = _edge_compute(ea128, hsab, We1, be1, We2, be2,
                       Wf1, bf1, Wf2, bf2, R, P, E16, E3, ones)
    zero = jnp.zeros((N_NODES, ACC_W), _F32)
    parts = _sc_scatter(tp, dst, zero)
    return _combine(parts)

# --- scband reference (transcript-rebuilt; emitter-appended) ---
"""Pipeline reference for scband-score-model-27384711480159 (READ-ONLY COPY).

The authoritative reference and input builder live on the scoring server;
editing this copy changes nothing except your own understanding.
"""

import jax, jax.numpy as jnp
import numpy as np

N = 10000
E = 320000
NODE_FDIM = 128
EDGE_FDIM = 16
SIGMA_DIM = 32
DIST_DIM = 32
NS = 16


def _lin(key, fan_in, fan_out):
    return jax.random.normal(key, (fan_in, fan_out), dtype=jnp.float32) / np.sqrt(fan_in)


def setup_inputs(seed: int = 0):
    key = jax.random.key(seed)
    ks = jax.random.split(key, 12)
    inp = {}
    inp["x"] = jax.random.normal(ks[0], (N, NODE_FDIM + SIGMA_DIM), dtype=jnp.float32)
    inp["edge_index"] = jax.random.randint(ks[1], (2, E), 0, N, dtype=jnp.int32)
    inp["edge_attr"] = jax.random.normal(ks[2], (E, EDGE_FDIM + DIST_DIM + SIGMA_DIM), dtype=jnp.float32)
    inp["edge_sh"] = jax.random.normal(ks[3], (E, 9), dtype=jnp.float32)
    inp["Wn1"] = _lin(ks[4], NODE_FDIM + SIGMA_DIM, NS)
    inp["bn1"] = jnp.zeros((NS,), jnp.float32)
    inp["Wn2"] = _lin(ks[5], NS, NS)
    inp["bn2"] = jnp.zeros((NS,), jnp.float32)
    inp["We1"] = _lin(ks[6], EDGE_FDIM + DIST_DIM + SIGMA_DIM, NS)
    inp["be1"] = jnp.zeros((NS,), jnp.float32)
    inp["We2"] = _lin(ks[7], NS, NS)
    inp["be2"] = jnp.zeros((NS,), jnp.float32)
    inp["Wf1"] = _lin(ks[8], 3 * NS, 3 * NS)
    inp["bf1"] = jnp.zeros((3 * NS,), jnp.float32)
    inp["Wf2"] = _lin(ks[9], 3 * NS, 2 * NS * NS)
    inp["bf2"] = jnp.zeros((2 * NS * NS,), jnp.float32)
    return inp


def reference(x, edge_index, edge_attr, edge_sh, Wn1, bn1, Wn2, bn2, We1, be1, We2, be2, Wf1, bf1, Wf2, bf2):
    src, dst = edge_index[0], edge_index[1]
    # node_embedding: Linear -> ReLU -> (Dropout=Identity in eval) -> Linear
    h = jax.nn.relu(x @ Wn1 + bn1) @ Wn2 + bn2
    # edge_embedding MLP on [edge_fdim + distance_emb + sigma_emb]
    e = jax.nn.relu(edge_attr @ We1 + be1) @ We2 + be2
    # gather endpoint features (memory-bound gathers)
    h_src = jnp.take(h, src, axis=0)
    h_dst = jnp.take(h, dst, axis=0)
    # edge_attr_ = cat([edge_attr, x[src,:n_s], x[dst,:n_s]])
    ea = jnp.concatenate([e, h_src, h_dst], axis=-1)
    # fc_net producing per-edge tensor-product weights (weight_numel = 2*16*16 = 512)
    w = jax.nn.relu(ea @ Wf1 + bf1) @ Wf2 + bf2
    w1 = w[:, : NS * NS].reshape(-1, NS, NS)
    w2 = w[:, NS * NS :].reshape(-1, NS, NS)
    # FullyConnectedTensorProduct('16x0e', '1x0e+1x1o+1x2e', '16x0e+16x1o')
    # paths: 0e x 0e -> 0e, 0e x 1o -> 1o (0e x 2e -> 2e dropped, no 2e output)
    norm = 1.0 / np.sqrt(NS)
    out0 = jnp.einsum('eij,ei->ej', w1, h_src) * edge_sh[:, 0:1] * norm
    out1 = (jnp.einsum('eij,ei->ej', w2, h_src)[:, :, None] * edge_sh[:, None, 1:4]) * norm
    tp_out = jnp.concatenate([out0, out1.reshape(-1, 3 * NS)], axis=-1)
    # scatter(..., reduce='mean') over dst nodes
    sums = jax.ops.segment_sum(tp_out, dst, num_segments=N)
    counts = jax.ops.segment_sum(jnp.ones((E,), jnp.float32), dst, num_segments=N)
    out = sums / jnp.maximum(counts, 1.0)[:, None]
    return out

if __name__ == "__main__":
    import jax
    _d = setup_inputs()
    print(jax.jit(kernel)(*tuple(_d.values())))

</pallas_src>

<mosaic_0001>
#map = affine_map<(d0, d1) -> (0, 0)>
#map1 = affine_map<(d0, d1) -> (0, 0, 0)>
module attributes {stable_mosaic.version = 14 : i64} {
  func.func @_sc_gather(%arg0: i32, %arg1: i32, %arg2: memref<20000x64xf32, #tpu.memory_space<hbm>>, %arg3: memref<32x125x80xi32, #tpu.memory_space<hbm>>, %arg4: memref<32x125x80xi32, #tpu.memory_space<hbm>>, %arg5: memref<320000x128xf32, #tpu.memory_space<hbm>>, %arg6: memref<125x80xi32, #tpu.memory_space<vmem>>, %arg7: memref<125x80xi32, #tpu.memory_space<vmem>>, %arg8: memref<400x64xf32, #tpu.memory_space<vmem>>, %arg9: memref<400x64xf32, #tpu.memory_space<vmem>>, %arg10: memref<!tpu.dma_semaphore, #tpu.memory_space<semaphore_mem>>, %arg11: memref<!tpu.dma_semaphore, #tpu.memory_space<semaphore_mem>>) attributes {dimension_semantics = [#tpu.dimension_semantics<core_parallel>, #tpu.dimension_semantics<subcore_parallel>], iteration_bounds = array<i64: 2, 16>, scalar_prefetch = 0 : i64, scratch_operands = 6 : i64, tpu.core_type = #tpu.core_type<sc_vector_subcore>, window_params = [{transform_indices = #map}, {transform_indices = #map1}, {transform_indices = #map1}, {transform_indices = #map}]} {
    %mul3A = arith.constant 2 : i32
    %mul3A_0 = arith.muli %arg1, %mul3A : i32
    %add3A = arith.addi %mul3A_0, %arg0 : i32
    %mul3A_1 = arith.constant 10000 : i32
    %mul3A_2 = arith.muli %add3A, %mul3A_1 : i32
    "tpu.region"() ({
      %run_scoped3A = tpu.sem_alloc : memref<!tpu.dma_semaphore, #tpu.memory_space<semaphore_mem>>
      %dma_start3A = arith.constant 0 : i32
      %dma_start3A_8 = arith.constant 0 : i32
      %dma_start3A_9 = tpu.memref_slice %arg3[%add3A, %dma_start3A, %dma_start3A_8] : memref<32x125x80xi32, #tpu.memory_space<hbm>> -> memref<1x125x80xi32, #tpu.memory_space<hbm>>
      %dma_start3A_10 = tpu.memref_squeeze %dma_start3A_9 : memref<1x125x80xi32, #tpu.memory_space<hbm>> -> memref<125x80xi32, #tpu.memory_space<hbm>>
      %dma_start3A_11 = arith.constant 0 : i32
      %dma_start3A_12 = arith.constant 0 : i32
      %dma_start3A_13 = tpu.memref_slice %arg3[%add3A, %dma_start3A_11, %dma_start3A_12] : memref<32x125x80xi32, #tpu.memory_space<hbm>> -> memref<1x125x80xi32, #tpu.memory_space<hbm>>
      %dma_start3A_14 = tpu.memref_squeeze %dma_start3A_13 : memref<1x125x80xi32, #tpu.memory_space<hbm>> -> memref<125x80xi32, #tpu.memory_space<hbm>>
      tpu.enqueue_dma source(%dma_start3A_14 : memref<125x80xi32, #tpu.memory_space<hbm>>) target(%arg6 : memref<125x80xi32, #tpu.memory_space<vmem>>) target_semaphore(%run_scoped3A : memref<!tpu.dma_semaphore, #tpu.memory_space<semaphore_mem>>)
      %dma_wait3A = arith.constant 0 : i32
      %dma_wait3A_15 = arith.constant 0 : i32
      %dma_wait3A_16 = tpu.memref_slice %arg3[%add3A, %dma_wait3A, %dma_wait3A_15] : memref<32x125x80xi32, #tpu.memory_space<hbm>> -> memref<1x125x80xi32, #tpu.memory_space<hbm>>
      %dma_wait3A_17 = tpu.memref_squeeze %dma_wait3A_16 : memref<1x125x80xi32, #tpu.memory_space<hbm>> -> memref<125x80xi32, #tpu.memory_space<hbm>>
      %dma_wait3A_18 = arith.constant 0 : i32
      %dma_wait3A_19 = arith.constant 0 : i32
      %dma_wait3A_20 = tpu.memref_slice %arg3[%add3A, %dma_wait3A_18, %dma_wait3A_19] : memref<32x125x80xi32, #tpu.memory_space<hbm>> -> memref<1x125x80xi32, #tpu.memory_space<hbm>>
      %dma_wait3A_21 = tpu.memref_squeeze %dma_wait3A_20 : memref<1x125x80xi32, #tpu.memory_space<hbm>> -> memref<125x80xi32, #tpu.memory_space<hbm>>
      tpu.wait_dma2 semaphore(%run_scoped3A : memref<!tpu.dma_semaphore, #tpu.memory_space<semaphore_mem>>) src(%dma_wait3A_21 : memref<125x80xi32, #tpu.memory_space<hbm>>) dst(%arg6 : memref<125x80xi32, #tpu.memory_space<vmem>>)
      tpu.yield
    }) : () -> ()
    "tpu.region"() ({
      %run_scoped3A = tpu.sem_alloc : memref<!tpu.dma_semaphore, #tpu.memory_space<semaphore_mem>>
      %dma_start3A = arith.constant 0 : i32
      %dma_start3A_8 = arith.constant 0 : i32
      %dma_start3A_9 = tpu.memref_slice %arg4[%add3A, %dma_start3A, %dma_start3A_8] : memref<32x125x80xi32, #tpu.memory_space<hbm>> -> memref<1x125x80xi32, #tpu.memory_space<hbm>>
      %dma_start3A_10 = tpu.memref_squeeze %dma_start3A_9 : memref<1x125x80xi32, #tpu.memory_space<hbm>> -> memref<125x80xi32, #tpu.memory_space<hbm>>
      %dma_start3A_11 = arith.constant 0 : i32
      %dma_start3A_12 = arith.constant 0 : i32
      %dma_start3A_13 = tpu.memref_slice %arg4[%add3A, %dma_start3A_11, %dma_start3A_12] : memref<32x125x80xi32, #tpu.memory_space<hbm>> -> memref<1x125x80xi32, #tpu.memory_space<hbm>>
      %dma_start3A_14 = tpu.memref_squeeze %dma_start3A_13 : memref<1x125x80xi32, #tpu.memory_space<hbm>> -> memref<125x80xi32, #tpu.memory_space<hbm>>
      tpu.enqueue_dma source(%dma_start3A_14 : memref<125x80xi32, #tpu.memory_space<hbm>>) target(%arg7 : memref<125x80xi32, #tpu.memory_space<vmem>>) target_semaphore(%run_scoped3A : memref<!tpu.dma_semaphore, #tpu.memory_space<semaphore_mem>>)
      %dma_wait3A = arith.constant 0 : i32
      %dma_wait3A_15 = arith.constant 0 : i32
      %dma_wait3A_16 = tpu.memref_slice %arg4[%add3A, %dma_wait3A, %dma_wait3A_15] : memref<32x125x80xi32, #tpu.memory_space<hbm>> -> memref<1x125x80xi32, #tpu.memory_space<hbm>>
      %dma_wait3A_17 = tpu.memref_squeeze %dma_wait3A_16 : memref<1x125x80xi32, #tpu.memory_space<hbm>> -> memref<125x80xi32, #tpu.memory_space<hbm>>
      %dma_wait3A_18 = arith.constant 0 : i32
      %dma_wait3A_19 = arith.constant 0 : i32
      %dma_wait3A_20 = tpu.memref_slice %arg4[%add3A, %dma_wait3A_18, %dma_wait3A_19] : memref<32x125x80xi32, #tpu.memory_space<hbm>> -> memref<1x125x80xi32, #tpu.memory_space<hbm>>
      %dma_wait3A_21 = tpu.memref_squeeze %dma_wait3A_20 : memref<1x125x80xi32, #tpu.memory_space<hbm>> -> memref<125x80xi32, #tpu.memory_space<hbm>>
      tpu.wait_dma2 semaphore(%run_scoped3A : memref<!tpu.dma_semaphore, #tpu.memory_space<semaphore_mem>>) src(%dma_wait3A_21 : memref<125x80xi32, #tpu.memory_space<hbm>>) dst(%arg7 : memref<125x80xi32, #tpu.memory_space<vmem>>)
      tpu.yield
    }) : () -> ()
    %scan3A = arith.constant 0 : i32
    %scan3A_3 = arith.constant 0 : i32
    %scan3A_4 = arith.constant 25 : i32
    %scan3A_5 = arith.addi %scan3A_3, %scan3A_4 : i32
    %scan3A_6 = arith.constant 1 : i32
    scf.for %scan3A_8 = %scan3A_3 to %scan3A_5 step %scan3A_6  : i32 {
      %mul3A_9 = arith.constant 5 : i32
      %mul3A_10 = arith.muli %scan3A_8, %mul3A_9 : i32
      %add3A_11 = arith.constant 0 : i32
      %add3A_12 = arith.addi %mul3A_10, %add3A_11 : i32
      %dma_start3A = arith.constant 0 : i32
      %dma_start3A_13 = arith.constant 0 : i32
      %dma_start3A_14 = tpu.memref_slice %arg8[%dma_start3A, %dma_start3A_13] : memref<400x64xf32, #tpu.memory_space<vmem>> -> memref<80x64xf32, #tpu.memory_space<vmem>>
      %dma_start3A_15 = arith.constant 0 : i32
      %dma_start3A_16 = tpu.memref_slice %arg6[%add3A_12, %dma_start3A_15] : memref<125x80xi32, #tpu.memory_space<vmem>> -> memref<1x80xi32, #tpu.memory_space<vmem>>
      %dma_start3A_17 = tpu.memref_squeeze %dma_start3A_16 : memref<1x80xi32, #tpu.memory_space<vmem>> -> memref<80xi32, #tpu.memory_space<vmem>>
      %dma_start3A_18 = arith.constant 0 : i32
      %dma_start3A_19 = arith.constant 0 : i32
      %dma_start3A_20 = tpu.memref_slice %arg2[%dma_start3A_18, %dma_start3A_19] : memref<20000x64xf32, #tpu.memory_space<hbm>> -> memref<20000x64xf32, #tpu.memory_space<hbm>>
      tpu.enqueue_indirect_dma source(%dma_start3A_20 : memref<20000x64xf32, #tpu.memory_space<hbm>>) target(%dma_start3A_14 : memref<80x64xf32, #tpu.memory_space<vmem>>) offsets(%dma_start3A_17 : memref<80xi32, #tpu.memory_space<vmem>>) semaphore(%arg10 : memref<!tpu.dma_semaphore, #tpu.memory_space<semaphore_mem>>)
      %dma_start3A_21 = arith.constant 0 : i32
      %dma_start3A_22 = arith.constant 0 : i32
      %dma_start3A_23 = tpu.memref_slice %arg9[%dma_start3A_21, %dma_start3A_22] : memref<400x64xf32, #tpu.memory_space<vmem>> -> memref<80x64xf32, #tpu.memory_space<vmem>>
      %dma_start3A_24 = arith.constant 0 : i32
      %dma_start3A_25 = tpu.memref_slice %arg7[%add3A_12, %dma_start3A_24] : memref<125x80xi32, #tpu.memory_space<vmem>> -> memref<1x80xi32, #tpu.memory_space<vmem>>
      %dma_start3A_26 = tpu.memref_squeeze %dma_start3A_25 : memref<1x80xi32, #tpu.memory_space<vmem>> -> memref<80xi32, #tpu.memory_space<vmem>>
      %dma_start3A_27 = arith.constant 0 : i32
      %dma_start3A_28 = arith.constant 0 : i32
      %dma_start3A_29 = tpu.memref_slice %arg2[%dma_start3A_27, %dma_start3A_28] : memref<20000x64xf32, #tpu.memory_space<hbm>> -> memref<20000x64xf32, #tpu.memory_space<hbm>>
      tpu.enqueue_indirect_dma source(%dma_start3A_29 : memref<20000x64xf32, #tpu.memory_space<hbm>>) target(%dma_start3A_23 : memref<80x64xf32, #tpu.memory_space<vmem>>) offsets(%dma_start3A_26 : memref<80xi32, #tpu.memory_space<vmem>>) semaphore(%arg11 : memref<!tpu.dma_semaphore, #tpu.memory_space<semaphore_mem>>)
      %mul3A_30 = arith.constant 5 : i32
      %mul3A_31 = arith.muli %scan3A_8, %mul3A_30 : i32
      %add3A_32 = arith.constant 1 : i32
      %add3A_33 = arith.addi %mul3A_31, %add3A_32 : i32
      %dma_start3A_34 = arith.constant 80 : i32
      %dma_start3A_35 = arith.constant 0 : i32
      %dma_start3A_36 = tpu.memref_slice %arg8[%dma_start3A_34, %dma_start3A_35] : memref<400x64xf32, #tpu.memory_space<vmem>> -> memref<80x64xf32, #tpu.memory_space<vmem>>
      %dma_start3A_37 = arith.constant 0 : i32
      %dma_start3A_38 = tpu.memref_slice %arg6[%add3A_33, %dma_start3A_37] : memref<125x80xi32, #tpu.memory_space<vmem>> -> memref<1x80xi32, #tpu.memory_space<vmem>>
      %dma_start3A_39 = tpu.memref_squeeze %dma_start3A_38 : memref<1x80xi32, #tpu.memory_space<vmem>> -> memref<80xi32, #tpu.memory_space<vmem>>
      %dma_start3A_40 = arith.constant 0 : i32
      %dma_start3A_41 = arith.constant 0 : i32
      %dma_start3A_42 = tpu.memref_slice %arg2[%dma_start3A_40, %dma_start3A_41] : memref<20000x64xf32, #tpu.memory_space<hbm>> -> memref<20000x64xf32, #tpu.memory_space<hbm>>
      tpu.enqueue_indirect_dma source(%dma_start3A_42 : memref<20000x64xf32, #tpu.memory_space<hbm>>) target(%dma_start3A_36 : memref<80x64xf32, #tpu.memory_space<vmem>>) offsets(%dma_start3A_39 : memref<80xi32, #tpu.memory_space<vmem>>) semaphore(%arg10 : memref<!tpu.dma_semaphore, #tpu.memory_space<semaphore_mem>>)
      %dma_start3A_43 = arith.constant 80 : i32
      %dma_start3A_44 = arith.constant 0 : i32
      %dma_start3A_45 = tpu.memref_slice %arg9[%dma_start3A_43, %dma_start3A_44] : memref<400x64xf32, #tpu.memory_space<vmem>> -> memref<80x64xf32, #tpu.memory_space<vmem>>
      %dma_start3A_46 = arith.constant 0 : i32
      %dma_start3A_47 = tpu.memref_slice %arg7[%add3A_33, %dma_start3A_46] : memref<125x80xi32, #tpu.memory_space<vmem>> -> memref<1x80xi32, #tpu.memory_space<vmem>>
      %dma_start3A_48 = tpu.memref_squeeze %dma_start3A_47 : memref<1x80xi32, #tpu.memory_space<vmem>> -> memref<80xi32, #tpu.memory_space<vmem>>
      %dma_start3A_49 = arith.constant 0 : i32
      %dma_start3A_50 = arith.constant 0 : i32
      %dma_start3A_51 = tpu.memref_slice %arg2[%dma_start3A_49, %dma_start3A_50] : memref<20000x64xf32, #tpu.memory_space<hbm>> -> memref<20000x64xf32, #tpu.memory_space<hbm>>
      tpu.enqueue_indirect_dma source(%dma_start3A_51 : memref<20000x64xf32, #tpu.memory_space<hbm>>) target(%dma_start3A_45 : memref<80x64xf32, #tpu.memory_space<vmem>>) offsets(%dma_start3A_48 : memref<80xi32, #tpu.memory_space<vmem>>) semaphore(%arg11 : memref<!tpu.dma_semaphore, #tpu.memory_space<semaphore_mem>>)
      %mul3A_52 = arith.constant 5 : i32
      %mul3A_53 = arith.muli %scan3A_8, %mul3A_52 : i32
      %add3A_54 = arith.constant 2 : i32
      %add3A_55 = arith.addi %mul3A_53, %add3A_54 : i32
      %dma_start3A_56 = arith.constant 160 : i32
      %dma_start3A_57 = arith.constant 0 : i32
      %dma_start3A_58 = tpu.memref_slice %arg8[%dma_start3A_56, %dma_start3A_57] : memref<400x64xf32, #tpu.memory_space<vmem>> -> memref<80x64xf32, #tpu.memory_space<vmem>>
      %dma_start3A_59 = arith.constant 0 : i32
      %dma_start3A_60 = tpu.memref_slice %arg6[%add3A_55, %dma_start3A_59] : memref<125x80xi32, #tpu.memory_space<vmem>> -> memref<1x80xi32, #tpu.memory_space<vmem>>
      %dma_start3A_61 = tpu.memref_squeeze %dma_start3A_60 : memref<1x80xi32, #tpu.memory_space<vmem>> -> memref<80xi32, #tpu.memory_space<vmem>>
      %dma_start3A_62 = arith.constant 0 : i32
      %dma_start3A_63 = arith.constant 0 : i32
      %dma_start3A_64 = tpu.memref_slice %arg2[%dma_start3A_62, %dma_start3A_63] : memref<20000x64xf32, #tpu.memory_space<hbm>> -> memref<20000x64xf32, #tpu.memory_space<hbm>>
      tpu.enqueue_indirect_dma source(%dma_start3A_64 : memref<20000x64xf32, #tpu.memory_space<hbm>>) target(%dma_start3A_58 : memref<80x64xf32, #tpu.memory_space<vmem>>) offsets(%dma_start3A_61 : memref<80xi32, #tpu.memory_space<vmem>>) semaphore(%arg10 : memref<!tpu.dma_semaphore, #tpu.memory_space<semaphore_mem>>)
      %dma_start3A_65 = arith.constant 160 : i32
      %dma_start3A_66 = arith.constant 0 : i32
      %dma_start3A_67 = tpu.memref_slice %arg9[%dma_start3A_65, %dma_start3A_66] : memref<400x64xf32, #tpu.memory_space<vmem>> -> memref<80x64xf32, #tpu.memory_space<vmem>>
      %dma_start3A_68 = arith.constant 0 : i32
      %dma_start3A_69 = tpu.memref_slice %arg7[%add3A_55, %dma_start3A_68] : memref<125x80xi32, #tpu.memory_space<vmem>> -> memref<1x80xi32, #tpu.memory_space<vmem>>
      %dma_start3A_70 = tpu.memref_squeeze %dma_start3A_69 : memref<1x80xi32, #tpu.memory_space<vmem>> -> memref<80xi32, #tpu.memory_space<vmem>>
      %dma_start3A_71 = arith.constant 0 : i32
      %dma_start3A_72 = arith.constant 0 : i32
      %dma_start3A_73 = tpu.memref_slice %arg2[%dma_start3A_71, %dma_start3A_72] : memref<20000x64xf32, #tpu.memory_space<hbm>> -> memref<20000x64xf32, #tpu.memory_space<hbm>>
      tpu.enqueue_indirect_dma source(%dma_start3A_73 : memref<20000x64xf32, #tpu.memory_space<hbm>>) target(%dma_start3A_67 : memref<80x64xf32, #tpu.memory_space<vmem>>) offsets(%dma_start3A_70 : memref<80xi32, #tpu.memory_space<vmem>>) semaphore(%arg11 : memref<!tpu.dma_semaphore, #tpu.memory_space<semaphore_mem>>)
      %mul3A_74 = arith.constant 5 : i32
      %mul3A_75 = arith.muli %scan3A_8, %mul3A_74 : i32
      %add3A_76 = arith.constant 3 : i32
      %add3A_77 = arith.addi %mul3A_75, %add3A_76 : i32
      %dma_start3A_78 = arith.constant 240 : i32
      %dma_start3A_79 = arith.constant 0 : i32
      %dma_start3A_80 = tpu.memref_slice %arg8[%dma_start3A_78, %dma_start3A_79] : memref<400x64xf32, #tpu.memory_space<vmem>> -> memref<80x64xf32, #tpu.memory_space<vmem>>
      %dma_start3A_81 = arith.constant 0 : i32
      %dma_start3A_82 = tpu.memref_slice %arg6[%add3A_77, %dma_start3A_81] : memref<125x80xi32, #tpu.memory_space<vmem>> -> memref<1x80xi32, #tpu.memory_space<vmem>>
      %dma_start3A_83 = tpu.memref_squeeze %dma_start3A_82 : memref<1x80xi32, #tpu.memory_space<vmem>> -> memref<80xi32, #tpu.memory_space<vmem>>
      %dma_start3A_84 = arith.constant 0 : i32
      %dma_start3A_85 = arith.constant 0 : i32
      %dma_start3A_86 = tpu.memref_slice %arg2[%dma_start3A_84, %dma_start3A_85] : memref<20000x64xf32, #tpu.memory_space<hbm>> -> memref<20000x64xf32, #tpu.memory_space<hbm>>
      tpu.enqueue_indirect_dma source(%dma_start3A_86 : memref<20000x64xf32, #tpu.memory_space<hbm>>) target(%dma_start3A_80 : memref<80x64xf32, #tpu.memory_space<vmem>>) offsets(%dma_start3A_83 : memref<80xi32, #tpu.memory_space<vmem>>) semaphore(%arg10 : memref<!tpu.dma_semaphore, #tpu.memory_space<semaphore_mem>>)
      %dma_start3A_87 = arith.constant 240 : i32
      %dma_start3A_88 = arith.constant 0 : i32
      %dma_start3A_89 = tpu.memref_slice %arg9[%dma_start3A_87, %dma_start3A_88] : memref<400x64xf32, #tpu.memory_space<vmem>> -> memref<80x64xf32, #tpu.memory_space<vmem>>
      %dma_start3A_90 = arith.constant 0 : i32
      %dma_start3A_91 = tpu.memref_slice %arg7[%add3A_77, %dma_start3A_90] : memref<125x80xi32, #tpu.memory_space<vmem>> -> memref<1x80xi32, #tpu.memory_space<vmem>>
      %dma_start3A_92 = tpu.memref_squeeze %dma_start3A_91 : memref<1x80xi32, #tpu.memory_space<vmem>> -> memref<80xi32, #tpu.memory_space<vmem>>
      %dma_start3A_93 = arith.constant 0 : i32
      %dma_start3A_94 = arith.constant 0 : i32
      %dma_start3A_95 = tpu.memref_slice %arg2[%dma_start3A_93, %dma_start3A_94] : memref<20000x64xf32, #tpu.memory_space<hbm>> -> memref<20000x64xf32, #tpu.memory_space<hbm>>
      tpu.enqueue_indirect_dma source(%dma_start3A_95 : memref<20000x64xf32, #tpu.memory_space<hbm>>) target(%dma_start3A_89 : memref<80x64xf32, #tpu.memory_space<vmem>>) offsets(%dma_start3A_92 : memref<80xi32, #tpu.memory_space<vmem>>) semaphore(%arg11 : memref<!tpu.dma_semaphore, #tpu.memory_space<semaphore_mem>>)
      %mul3A_96 = arith.constant 5 : i32
      %mul3A_97 = arith.muli %scan3A_8, %mul3A_96 : i32
      %add3A_98 = arith.constant 4 : i32
      %add3A_99 = arith.addi %mul3A_97, %add3A_98 : i32
      %dma_start3A_100 = arith.constant 320 : i32
      %dma_start3A_101 = arith.constant 0 : i32
      %dma_start3A_102 = tpu.memref_slice %arg8[%dma_start3A_100, %dma_start3A_101] : memref<400x64xf32, #tpu.memory_space<vmem>> -> memref<80x64xf32, #tpu.memory_space<vmem>>
      %dma_start3A_103 = arith.constant 0 : i32
      %dma_start3A_104 = tpu.memref_slice %arg6[%add3A_99, %dma_start3A_103] : memref<125x80xi32, #tpu.memory_space<vmem>> -> memref<1x80xi32, #tpu.memory_space<vmem>>
      %dma_start3A_105 = tpu.memref_squeeze %dma_start3A_104 : memref<1x80xi32, #tpu.memory_space<vmem>> -> memref<80xi32, #tpu.memory_space<vmem>>
      %dma_start3A_106 = arith.constant 0 : i32
      %dma_start3A_107 = arith.constant 0 : i32
      %dma_start3A_108 = tpu.memref_slice %arg2[%dma_start3A_106, %dma_start3A_107] : memref<20000x64xf32, #tpu.memory_space<hbm>> -> memref<20000x64xf32, #tpu.memory_space<hbm>>
      tpu.enqueue_indirect_dma source(%dma_start3A_108 : memref<20000x64xf32, #tpu.memory_space<hbm>>) target(%dma_start3A_102 : memref<80x64xf32, #tpu.memory_space<vmem>>) offsets(%dma_start3A_105 : memref<80xi32, #tpu.memory_space<vmem>>) semaphore(%arg10 : memref<!tpu.dma_semaphore, #tpu.memory_space<semaphore_mem>>)
      %dma_start3A_109 = arith.constant 320 : i32
      %dma_start3A_110 = arith.constant 0 : i32
      %dma_start3A_111 = tpu.memref_slice %arg9[%dma_start3A_109, %dma_start3A_110] : memref<400x64xf32, #tpu.memory_space<vmem>> -> memref<80x64xf32, #tpu.memory_space<vmem>>
      %dma_start3A_112 = arith.constant 0 : i32
      %dma_start3A_113 = tpu.memref_slice %arg7[%add3A_99, %dma_start3A_112] : memref<125x80xi32, #tpu.memory_space<vmem>> -> memref<1x80xi32, #tpu.memory_space<vmem>>
      %dma_start3A_114 = tpu.memref_squeeze %dma_start3A_113 : memref<1x80xi32, #tpu.memory_space<vmem>> -> memref<80xi32, #tpu.memory_space<vmem>>
      %dma_start3A_115 = arith.constant 0 : i32
      %dma_start3A_116 = arith.constant 0 : i32
      %dma_start3A_117 = tpu.memref_slice %arg2[%dma_start3A_115, %dma_start3A_116] : memref<20000x64xf32, #tpu.memory_space<hbm>> -> memref<20000x64xf32, #tpu.memory_space<hbm>>
      tpu.enqueue_indirect_dma source(%dma_start3A_117 : memref<20000x64xf32, #tpu.memory_space<hbm>>) target(%dma_start3A_111 : memref<80x64xf32, #tpu.memory_space<vmem>>) offsets(%dma_start3A_114 : memref<80xi32, #tpu.memory_space<vmem>>) semaphore(%arg11 : memref<!tpu.dma_semaphore, #tpu.memory_space<semaphore_mem>>)
      %dma_wait3A = arith.constant 0 : i32
      %dma_wait3A_118 = arith.constant 0 : i32
      %dma_wait3A_119 = tpu.memref_slice %arg8[%dma_wait3A, %dma_wait3A_118] : memref<400x64xf32, #tpu.memory_space<vmem>> -> memref<80x64xf32, #tpu.memory_space<vmem>>
      %dma_wait3A_120 = arith.constant 0 : i32
      %dma_wait3A_121 = tpu.memref_slice %arg6[%add3A_12, %dma_wait3A_120] : memref<125x80xi32, #tpu.memory_space<vmem>> -> memref<1x80xi32, #tpu.memory_space<vmem>>
      %dma_wait3A_122 = tpu.memref_squeeze %dma_wait3A_121 : memref<1x80xi32, #tpu.memory_space<vmem>> -> memref<80xi32, #tpu.memory_space<vmem>>
      %dma_wait3A_123 = arith.constant 0 : i32
      %dma_wait3A_124 = arith.constant 0 : i32
      %dma_wait3A_125 = tpu.memref_slice %arg2[%dma_wait3A_123, %dma_wait3A_124] : memref<20000x64xf32, #tpu.memory_space<hbm>> -> memref<20000x64xf32, #tpu.memory_space<hbm>>
      tpu.wait_indirect_dma semaphore(%arg10 : memref<!tpu.dma_semaphore, #tpu.memory_space<semaphore_mem>>) src(%dma_wait3A_125 : memref<20000x64xf32, #tpu.memory_space<hbm>>) dst(%dma_wait3A_119 : memref<80x64xf32, #tpu.memory_space<vmem>>)
      %dma_wait3A_126 = arith.constant 0 : i32
      %dma_wait3A_127 = arith.constant 0 : i32
      %dma_wait3A_128 = tpu.memref_slice %arg9[%dma_wait3A_126, %dma_wait3A_127] : memref<400x64xf32, #tpu.memory_space<vmem>> -> memref<80x64xf32, #tpu.memory_space<vmem>>
      %dma_wait3A_129 = arith.constant 0 : i32
      %dma_wait3A_130 = tpu.memref_slice %arg7[%add3A_12, %dma_wait3A_129] : memref<125x80xi32, #tpu.memory_space<vmem>> -> memref<1x80xi32, #tpu.memory_space<vmem>>
      %dma_wait3A_131 = tpu.memref_squeeze %dma_wait3A_130 : memref<1x80xi32, #tpu.memory_space<vmem>> -> memref<80xi32, #tpu.memory_space<vmem>>
      %dma_wait3A_132 = arith.constant 0 : i32
      %dma_wait3A_133 = arith.constant 0 : i32
      %dma_wait3A_134 = tpu.memref_slice %arg2[%dma_wait3A_132, %dma_wait3A_133] : memref<20000x64xf32, #tpu.memory_space<hbm>> -> memref<20000x64xf32, #tpu.memory_space<hbm>>
      tpu.wait_indirect_dma semaphore(%arg11 : memref<!tpu.dma_semaphore, #tpu.memory_space<semaphore_mem>>) src(%dma_wait3A_134 : memref<20000x64xf32, #tpu.memory_space<hbm>>) dst(%dma_wait3A_128 : memref<80x64xf32, #tpu.memory_space<vmem>>)
      %dma_wait3A_135 = arith.constant 80 : i32
      %dma_wait3A_136 = arith.constant 0 : i32
      %dma_wait3A_137 = tpu.memref_slice %arg8[%dma_wait3A_135, %dma_wait3A_136] : memref<400x64xf32, #tpu.memory_space<vmem>> -> memref<80x64xf32, #tpu.memory_space<vmem>>
      %dma_wait3A_138 = arith.constant 0 : i32
      %dma_wait3A_139 = tpu.memref_slice %arg6[%add3A_33, %dma_wait3A_138] : memref<125x80xi32, #tpu.memory_space<vmem>> -> memref<1x80xi32, #tpu.memory_space<vmem>>
      %dma_wait3A_140 = tpu.memref_squeeze %dma_wait3A_139 : memref<1x80xi32, #tpu.memory_space<vmem>> -> memref<80xi32, #tpu.memory_space<vmem>>
      %dma_wait3A_141 = arith.constant 0 : i32
      %dma_wait3A_142 = arith.constant 0 : i32
      %dma_wait3A_143 = tpu.memref_slice %arg2[%dma_wait3A_141, %dma_wait3A_142] : memref<20000x64xf32, #tpu.memory_space<hbm>> -> memref<20000x64xf32, #tpu.memory_space<hbm>>
      tpu.wait_indirect_dma semaphore(%arg10 : memref<!tpu.dma_semaphore, #tpu.memory_space<semaphore_mem>>) src(%dma_wait3A_143 : memref<20000x64xf32, #tpu.memory_space<hbm>>) dst(%dma_wait3A_137 : memref<80x64xf32, #tpu.memory_space<vmem>>)
      %dma_wait3A_144 = arith.constant 80 : i32
      %dma_wait3A_145 = arith.constant 0 : i32
      %dma_wait3A_146 = tpu.memref_slice %arg9[%dma_wait3A_144, %dma_wait3A_145] : memref<400x64xf32, #tpu.memory_space<vmem>> -> memref<80x64xf32, #tpu.memory_space<vmem>>
      %dma_wait3A_147 = arith.constant 0 : i32
      %dma_wait3A_148 = tpu.memref_slice %arg7[%add3A_33, %dma_wait3A_147] : memref<125x80xi32, #tpu.memory_space<vmem>> -> memref<1x80xi32, #tpu.memory_space<vmem>>
      %dma_wait3A_149 = tpu.memref_squeeze %dma_wait3A_148 : memref<1x80xi32, #tpu.memory_space<vmem>> -> memref<80xi32, #tpu.memory_space<vmem>>
      %dma_wait3A_150 = arith.constant 0 : i32
      %dma_wait3A_151 = arith.constant 0 : i32
      %dma_wait3A_152 = tpu.memref_slice %arg2[%dma_wait3A_150, %dma_wait3A_151] : memref<20000x64xf32, #tpu.memory_space<hbm>> -> memref<20000x64xf32, #tpu.memory_space<hbm>>
      tpu.wait_indirect_dma semaphore(%arg11 : memref<!tpu.dma_semaphore, #tpu.memory_space<semaphore_mem>>) src(%dma_wait3A_152 : memref<20000x64xf32, #tpu.memory_space<hbm>>) dst(%dma_wait3A_146 : memref<80x64xf32, #tpu.memory_space<vmem>>)
      %dma_wait3A_153 = arith.constant 160 : i32
      %dma_wait3A_154 = arith.constant 0 : i32
      %dma_wait3A_155 = tpu.memref_slice %arg8[%dma_wait3A_153, %dma_wait3A_154] : memref<400x64xf32, #tpu.memory_space<vmem>> -> memref<80x64xf32, #tpu.memory_space<vmem>>
      %dma_wait3A_156 = arith.constant 0 : i32
      %dma_wait3A_157 = tpu.memref_slice %arg6[%add3A_55, %dma_wait3A_156] : memref<125x80xi32, #tpu.memory_space<vmem>> -> memref<1x80xi32, #tpu.memory_space<vmem>>
      %dma_wait3A_158 = tpu.memref_squeeze %dma_wait3A_157 : memref<1x80xi32, #tpu.memory_space<vmem>> -> memref<80xi32, #tpu.memory_space<vmem>>
      %dma_wait3A_159 = arith.constant 0 : i32
      %dma_wait3A_160 = arith.constant 0 : i32
      %dma_wait3A_161 = tpu.memref_slice %arg2[%dma_wait3A_159, %dma_wait3A_160] : memref<20000x64xf32, #tpu.memory_space<hbm>> -> memref<20000x64xf32, #tpu.memory_space<hbm>>
      tpu.wait_indirect_dma semaphore(%arg10 : memref<!tpu.dma_semaphore, #tpu.memory_space<semaphore_mem>>) src(%dma_wait3A_161 : memref<20000x64xf32, #tpu.memory_space<hbm>>) dst(%dma_wait3A_155 : memref<80x64xf32, #tpu.memory_space<vmem>>)
      %dma_wait3A_162 = arith.constant 160 : i32
      %dma_wait3A_163 = arith.constant 0 : i32
      %dma_wait3A_164 = tpu.memref_slice %arg9[%dma_wait3A_162, %dma_wait3A_163] : memref<400x64xf32, #tpu.memory_space<vmem>> -> memref<80x64xf32, #tpu.memory_space<vmem>>
      %dma_wait3A_165 = arith.constant 0 : i32
      %dma_wait3A_166 = tpu.memref_slice %arg7[%add3A_55, %dma_wait3A_165] : memref<125x80xi32, #tpu.memory_space<vmem>> -> memref<1x80xi32, #tpu.memory_space<vmem>>
      %dma_wait3A_167 = tpu.memref_squeeze %dma_wait3A_166 : memref<1x80xi32, #tpu.memory_space<vmem>> -> memref<80xi32, #tpu.memory_space<vmem>>
      %dma_wait3A_168 = arith.constant 0 : i32
      %dma_wait3A_169 = arith.constant 0 : i32
      %dma_wait3A_170 = tpu.memref_slice %arg2[%dma_wait3A_168, %dma_wait3A_169] : memref<20000x64xf32, #tpu.memory_space<hbm>> -> memref<20000x64xf32, #tpu.memory_space<hbm>>
      tpu.wait_indirect_dma semaphore(%arg11 : memref<!tpu.dma_semaphore, #tpu.memory_space<semaphore_mem>>) src(%dma_wait3A_170 : memref<20000x64xf32, #tpu.memory_space<hbm>>) dst(%dma_wait3A_164 : memref<80x64xf32, #tpu.memory_space<vmem>>)
      %dma_wait3A_171 = arith.constant 240 : i32
      %dma_wait3A_172 = arith.constant 0 : i32
      %dma_wait3A_173 = tpu.memref_slice %arg8[%dma_wait3A_171, %dma_wait3A_172] : memref<400x64xf32, #tpu.memory_space<vmem>> -> memref<80x64xf32, #tpu.memory_space<vmem>>
      %dma_wait3A_174 = arith.constant 0 : i32
      %dma_wait3A_175 = tpu.memref_slice %arg6[%add3A_77, %dma_wait3A_174] : memref<125x80xi32, #tpu.memory_space<vmem>> -> memref<1x80xi32, #tpu.memory_space<vmem>>
      %dma_wait3A_176 = tpu.memref_squeeze %dma_wait3A_175 : memref<1x80xi32, #tpu.memory_space<vmem>> -> memref<80xi32, #tpu.memory_space<vmem>>
      %dma_wait3A_177 = arith.constant 0 : i32
      %dma_wait3A_178 = arith.constant 0 : i32
      %dma_wait3A_179 = tpu.memref_slice %arg2[%dma_wait3A_177, %dma_wait3A_178] : memref<20000x64xf32, #tpu.memory_space<hbm>> -> memref<20000x64xf32, #tpu.memory_space<hbm>>
      tpu.wait_indirect_dma semaphore(%arg10 : memref<!tpu.dma_semaphore, #tpu.memory_space<semaphore_mem>>) src(%dma_wait3A_179 : memref<20000x64xf32, #tpu.memory_space<hbm>>) dst(%dma_wait3A_173 : memref<80x64xf32, #tpu.memory_space<vmem>>)
      %dma_wait3A_180 = arith.constant 240 : i32
      %dma_wait3A_181 = arith.constant 0 : i32
      %dma_wait3A_182 = tpu.memref_slice %arg9[%dma_wait3A_180, %dma_wait3A_181] : memref<400x64xf32, #tpu.memory_space<vmem>> -> memref<80x64xf32, #tpu.memory_space<vmem>>
      %dma_wait3A_183 = arith.constant 0 : i32
      %dma_wait3A_184 = tpu.memref_slice %arg7[%add3A_77, %dma_wait3A_183] : memref<125x80xi32, #tpu.memory_space<vmem>> -> memref<1x80xi32, #tpu.memory_space<vmem>>
      %dma_wait3A_185 = tpu.memref_squeeze %dma_wait3A_184 : memref<1x80xi32, #tpu.memory_space<vmem>> -> memref<80xi32, #tpu.memory_space<vmem>>
      %dma_wait3A_186 = arith.constant 0 : i32
      %dma_wait3A_187 = arith.constant 0 : i32
      %dma_wait3A_188 = tpu.memref_slice %arg2[%dma_wait3A_186, %dma_wait3A_187] : memref<20000x64xf32, #tpu.memory_space<hbm>> -> memref<20000x64xf32, #tpu.memory_space<hbm>>
      tpu.wait_indirect_dma semaphore(%arg11 : memref<!tpu.dma_semaphore, #tpu.memory_space<semaphore_mem>>) src(%dma_wait3A_188 : memref<20000x64xf32, #tpu.memory_space<hbm>>) dst(%dma_wait3A_182 : memref<80x64xf32, #tpu.memory_space<vmem>>)
      %dma_wait3A_189 = arith.constant 320 : i32
      %dma_wait3A_190 = arith.constant 0 : i32
      %dma_wait3A_191 = tpu.memref_slice %arg8[%dma_wait3A_189, %dma_wait3A_190] : memref<400x64xf32, #tpu.memory_space<vmem>> -> memref<80x64xf32, #tpu.memory_space<vmem>>
      %dma_wait3A_192 = arith.constant 0 : i32
      %dma_wait3A_193 = tpu.memref_slice %arg6[%add3A_99, %dma_wait3A_192] : memref<125x80xi32, #tpu.memory_space<vmem>> -> memref<1x80xi32, #tpu.memory_space<vmem>>
      %dma_wait3A_194 = tpu.memref_squeeze %dma_wait3A_193 : memref<1x80xi32, #tpu.memory_space<vmem>> -> memref<80xi32, #tpu.memory_space<vmem>>
      %dma_wait3A_195 = arith.constant 0 : i32
      %dma_wait3A_196 = arith.constant 0 : i32
      %dma_wait3A_197 = tpu.memref_slice %arg2[%dma_wait3A_195, %dma_wait3A_196] : memref<20000x64xf32, #tpu.memory_space<hbm>> -> memref<20000x64xf32, #tpu.memory_space<hbm>>
      tpu.wait_indirect_dma semaphore(%arg10 : memref<!tpu.dma_semaphore, #tpu.memory_space<semaphore_mem>>) src(%dma_wait3A_197 : memref<20000x64xf32, #tpu.memory_space<hbm>>) dst(%dma_wait3A_191 : memref<80x64xf32, #tpu.memory_space<vmem>>)
      %dma_wait3A_198 = arith.constant 320 : i32
      %dma_wait3A_199 = arith.constant 0 : i32
      %dma_wait3A_200 = tpu.memref_slice %arg9[%dma_wait3A_198, %dma_wait3A_199] : memref<400x64xf32, #tpu.memory_space<vmem>> -> memref<80x64xf32, #tpu.memory_space<vmem>>
      %dma_wait3A_201 = arith.constant 0 : i32
      %dma_wait3A_202 = tpu.memref_slice %arg7[%add3A_99, %dma_wait3A_201] : memref<125x80xi32, #tpu.memory_space<vmem>> -> memref<1x80xi32, #tpu.memory_space<vmem>>
      %dma_wait3A_203 = tpu.memref_squeeze %dma_wait3A_202 : memref<1x80xi32, #tpu.memory_space<vmem>> -> memref<80xi32, #tpu.memory_space<vmem>>
      %dma_wait3A_204 = arith.constant 0 : i32
      %dma_wait3A_205 = arith.constant 0 : i32
      %dma_wait3A_206 = tpu.memref_slice %arg2[%dma_wait3A_204, %dma_wait3A_205] : memref<20000x64xf32, #tpu.memory_space<hbm>> -> memref<20000x64xf32, #tpu.memory_space<hbm>>
      tpu.wait_indirect_dma semaphore(%arg11 : memref<!tpu.dma_semaphore, #tpu.memory_space<semaphore_mem>>) src(%dma_wait3A_206 : memref<20000x64xf32, #tpu.memory_space<hbm>>) dst(%dma_wait3A_200 : memref<80x64xf32, #tpu.memory_space<vmem>>)
      %mul3A_207 = arith.constant 400 : i32
      %mul3A_208 = arith.muli %scan3A_8, %mul3A_207 : i32
      %add3A_209 = arith.addi %mul3A_2, %mul3A_208 : i32
      "tpu.region"() ({
        %run_scoped3A = tpu.sem_alloc : memref<!tpu.dma_semaphore, #tpu.memory_space<semaphore_mem>>
        %dma_start3A_210 = arith.constant 0 : i32
        %dma_start3A_211 = tpu.memref_slice %arg5[%add3A_209, %dma_start3A_210] : memref<320000x128xf32, #tpu.memory_space<hbm>> -> memref<400x64xf32, #tpu.memory_space<hbm>>
        %dma_start3A_212 = arith.constant 0 : i32
        %dma_start3A_213 = tpu.memref_slice %arg5[%add3A_209, %dma_start3A_212] : memref<320000x128xf32, #tpu.memory_space<hbm>> -> memref<400x64xf32, #tpu.memory_space<hbm>>
        tpu.enqueue_dma source(%arg8 : memref<400x64xf32, #tpu.memory_space<vmem>>) target(%dma_start3A_213 : memref<400x64xf32, #tpu.memory_space<hbm>>) target_semaphore(%run_scoped3A : memref<!tpu.dma_semaphore, #tpu.memory_space<semaphore_mem>>)
        %dma_wait3A_214 = arith.constant 0 : i32
        %dma_wait3A_215 = tpu.memref_slice %arg5[%add3A_209, %dma_wait3A_214] : memref<320000x128xf32, #tpu.memory_space<hbm>> -> memref<400x64xf32, #tpu.memory_space<hbm>>
        %dma_wait3A_216 = arith.constant 0 : i32
        %dma_wait3A_217 = tpu.memref_slice %arg5[%add3A_209, %dma_wait3A_216] : memref<320000x128xf32, #tpu.memory_space<hbm>> -> memref<400x64xf32, #tpu.memory_space<hbm>>
        tpu.wait_dma2 semaphore(%run_scoped3A : memref<!tpu.dma_semaphore, #tpu.memory_space<semaphore_mem>>) src(%arg8 : memref<400x64xf32, #tpu.memory_space<vmem>>) dst(%dma_wait3A_217 : memref<400x64xf32, #tpu.memory_space<hbm>>)
        tpu.yield
      }) : () -> ()
      "tpu.region"() ({
        %run_scoped3A = tpu.sem_alloc : memref<!tpu.dma_semaphore, #tpu.memory_space<semaphore_mem>>
        %dma_start3A_210 = arith.constant 64 : i32
        %dma_start3A_211 = tpu.memref_slice %arg5[%add3A_209, %dma_start3A_210] : memref<320000x128xf32, #tpu.memory_space<hbm>> -> memref<400x64xf32, #tpu.memory_space<hbm>>
        %dma_start3A_212 = arith.constant 64 : i32
        %dma_start3A_213 = tpu.memref_slice %arg5[%add3A_209, %dma_start3A_212] : memref<320000x128xf32, #tpu.memory_space<hbm>> -> memref<400x64xf32, #tpu.memory_space<hbm>>
        tpu.enqueue_dma source(%arg9 : memref<400x64xf32, #tpu.memory_space<vmem>>) target(%dma_start3A_213 : memref<400x64xf32, #tpu.memory_space<hbm>>) target_semaphore(%run_scoped3A : memref<!tpu.dma_semaphore, #tpu.memory_space<semaphore_mem>>)
        %dma_wait3A_214 = arith.constant 64 : i32
        %dma_wait3A_215 = tpu.memref_slice %arg5[%add3A_209, %dma_wait3A_214] : memref<320000x128xf32, #tpu.memory_space<hbm>> -> memref<400x64xf32, #tpu.memory_space<hbm>>
        %dma_wait3A_216 = arith.constant 64 : i32
        %dma_wait3A_217 = tpu.memref_slice %arg5[%add3A_209, %dma_wait3A_216] : memref<320000x128xf32, #tpu.memory_space<hbm>> -> memref<400x64xf32, #tpu.memory_space<hbm>>
        tpu.wait_dma2 semaphore(%run_scoped3A : memref<!tpu.dma_semaphore, #tpu.memory_space<semaphore_mem>>) src(%arg9 : memref<400x64xf32, #tpu.memory_space<vmem>>) dst(%dma_wait3A_217 : memref<400x64xf32, #tpu.memory_space<hbm>>)
        tpu.yield
      }) : () -> ()
    }
    %scan3A_7 = arith.constant 25 : i32
    return
  }
}

#map = affine_map<(d0, d1) -> (0, 0)>
#map1 = affine_map<(d0, d1) -> (0, 0, 0)>
module attributes {stable_mosaic.version = 14 : i64} {
  func.func @_sc_scatter(%arg0: i32, %arg1: i32, %arg2: memref<320000x128xf32, #tpu.memory_space<hbm>>, %arg3: memref<32x125x80xi32, #tpu.memory_space<hbm>>, %arg4: memref<10000x80xf32, #tpu.memory_space<hbm>>, %arg5: memref<20000x80xf32, #tpu.memory_space<hbm>>, %arg6: memref<125x80xi32, #tpu.memory_space<vmem>>, %arg7: memref<400x80xf32, #tpu.memory_space<vmem>>, %arg8: memref<10000x80xf32, #tpu.memory_space<vmem_shared>>) attributes {dimension_semantics = [#tpu.dimension_semantics<core_parallel>, #tpu.dimension_semantics<subcore_parallel>], iteration_bounds = array<i64: 2, 16>, scalar_prefetch = 0 : i64, scratch_operands = 3 : i64, tpu.core_type = #tpu.core_type<sc_vector_subcore>, window_params = [{transform_indices = #map}, {transform_indices = #map1}, {transform_indices = #map}, {transform_indices = #map}]} {
    %mul3A = arith.constant 2 : i32
    %mul3A_0 = arith.muli %arg1, %mul3A : i32
    %add3A = arith.addi %mul3A_0, %arg0 : i32
    %mul3A_1 = arith.constant 10000 : i32
    %mul3A_2 = arith.muli %add3A, %mul3A_1 : i32
    %mul3A_3 = arith.constant 625 : i32
    %mul3A_4 = arith.muli %arg1, %mul3A_3 : i32
    %mul3A_5 = arith.constant 625 : i32
    %mul3A_6 = arith.muli %arg1, %mul3A_5 : i32
    "tpu.region"() ({
      %run_scoped3A = tpu.sem_alloc : memref<!tpu.dma_semaphore, #tpu.memory_space<semaphore_mem>>
      %dma_start3A = arith.constant 0 : i32
      %dma_start3A_20 = tpu.memref_slice %arg8[%mul3A_6, %dma_start3A] : memref<10000x80xf32, #tpu.memory_space<vmem_shared>> -> memref<625x80xf32, #tpu.memory_space<vmem_shared>>
      %dma_start3A_21 = arith.constant 0 : i32
      %dma_start3A_22 = tpu.memref_slice %arg4[%mul3A_4, %dma_start3A_21] : memref<10000x80xf32, #tpu.memory_space<hbm>> -> memref<625x80xf32, #tpu.memory_space<hbm>>
      tpu.enqueue_dma source(%dma_start3A_22 : memref<625x80xf32, #tpu.memory_space<hbm>>) target(%dma_start3A_20 : memref<625x80xf32, #tpu.memory_space<vmem_shared>>) target_semaphore(%run_scoped3A : memref<!tpu.dma_semaphore, #tpu.memory_space<semaphore_mem>>)
      %dma_wait3A = arith.constant 0 : i32
      %dma_wait3A_23 = tpu.memref_slice %arg8[%mul3A_6, %dma_wait3A] : memref<10000x80xf32, #tpu.memory_space<vmem_shared>> -> memref<625x80xf32, #tpu.memory_space<vmem_shared>>
      %dma_wait3A_24 = arith.constant 0 : i32
      %dma_wait3A_25 = tpu.memref_slice %arg4[%mul3A_4, %dma_wait3A_24] : memref<10000x80xf32, #tpu.memory_space<hbm>> -> memref<625x80xf32, #tpu.memory_space<hbm>>
      tpu.wait_dma2 semaphore(%run_scoped3A : memref<!tpu.dma_semaphore, #tpu.memory_space<semaphore_mem>>) src(%dma_wait3A_25 : memref<625x80xf32, #tpu.memory_space<hbm>>) dst(%dma_wait3A_23 : memref<625x80xf32, #tpu.memory_space<vmem_shared>>)
      tpu.yield
    }) : () -> ()
    "tpu.region"() ({
      %run_scoped3A = tpu.sem_alloc : memref<!tpu.dma_semaphore, #tpu.memory_space<semaphore_mem>>
      %dma_start3A = arith.constant 0 : i32
      %dma_start3A_20 = arith.constant 0 : i32
      %dma_start3A_21 = tpu.memref_slice %arg3[%add3A, %dma_start3A, %dma_start3A_20] : memref<32x125x80xi32, #tpu.memory_space<hbm>> -> memref<1x125x80xi32, #tpu.memory_space<hbm>>
      %dma_start3A_22 = tpu.memref_squeeze %dma_start3A_21 : memref<1x125x80xi32, #tpu.memory_space<hbm>> -> memref<125x80xi32, #tpu.memory_space<hbm>>
      %dma_start3A_23 = arith.constant 0 : i32
      %dma_start3A_24 = arith.constant 0 : i32
      %dma_start3A_25 = tpu.memref_slice %arg3[%add3A, %dma_start3A_23, %dma_start3A_24] : memref<32x125x80xi32, #tpu.memory_space<hbm>> -> memref<1x125x80xi32, #tpu.memory_space<hbm>>
      %dma_start3A_26 = tpu.memref_squeeze %dma_start3A_25 : memref<1x125x80xi32, #tpu.memory_space<hbm>> -> memref<125x80xi32, #tpu.memory_space<hbm>>
      tpu.enqueue_dma source(%dma_start3A_26 : memref<125x80xi32, #tpu.memory_space<hbm>>) target(%arg6 : memref<125x80xi32, #tpu.memory_space<vmem>>) target_semaphore(%run_scoped3A : memref<!tpu.dma_semaphore, #tpu.memory_space<semaphore_mem>>)
      %dma_wait3A = arith.constant 0 : i32
      %dma_wait3A_27 = arith.constant 0 : i32
      %dma_wait3A_28 = tpu.memref_slice %arg3[%add3A, %dma_wait3A, %dma_wait3A_27] : memref<32x125x80xi32, #tpu.memory_space<hbm>> -> memref<1x125x80xi32, #tpu.memory_space<hbm>>
      %dma_wait3A_29 = tpu.memref_squeeze %dma_wait3A_28 : memref<1x125x80xi32, #tpu.memory_space<hbm>> -> memref<125x80xi32, #tpu.memory_space<hbm>>
      %dma_wait3A_30 = arith.constant 0 : i32
      %dma_wait3A_31 = arith.constant 0 : i32
      %dma_wait3A_32 = tpu.memref_slice %arg3[%add3A, %dma_wait3A_30, %dma_wait3A_31] : memref<32x125x80xi32, #tpu.memory_space<hbm>> -> memref<1x125x80xi32, #tpu.memory_space<hbm>>
      %dma_wait3A_33 = tpu.memref_squeeze %dma_wait3A_32 : memref<1x125x80xi32, #tpu.memory_space<hbm>> -> memref<125x80xi32, #tpu.memory_space<hbm>>
      tpu.wait_dma2 semaphore(%run_scoped3A : memref<!tpu.dma_semaphore, #tpu.memory_space<semaphore_mem>>) src(%dma_wait3A_33 : memref<125x80xi32, #tpu.memory_space<hbm>>) dst(%arg6 : memref<125x80xi32, #tpu.memory_space<vmem>>)
      tpu.yield
    }) : () -> ()
    %barrier3A = arith.constant 0 : index
    tpu.barrier barrier_id(%barrier3A)
    %scan3A = arith.constant 0 : i32
    %scan3A_7 = arith.constant 0 : i32
    %scan3A_8 = arith.constant 25 : i32
    %scan3A_9 = arith.addi %scan3A_7, %scan3A_8 : i32
    %scan3A_10 = arith.constant 1 : i32
    scf.for %scan3A_20 = %scan3A_7 to %scan3A_9 step %scan3A_10  : i32 {
      %mul3A_21 = arith.constant 400 : i32
      %mul3A_22 = arith.muli %scan3A_20, %mul3A_21 : i32
      %add3A_23 = arith.addi %mul3A_2, %mul3A_22 : i32
      "tpu.region"() ({
        %run_scoped3A = tpu.sem_alloc : memref<!tpu.dma_semaphore, #tpu.memory_space<semaphore_mem>>
        %dma_start3A = arith.constant 0 : i32
        %dma_start3A_44 = tpu.memref_slice %arg2[%add3A_23, %dma_start3A] : memref<320000x128xf32, #tpu.memory_space<hbm>> -> memref<400x80xf32, #tpu.memory_space<hbm>>
        %dma_start3A_45 = arith.constant 0 : i32
        %dma_start3A_46 = tpu.memref_slice %arg2[%add3A_23, %dma_start3A_45] : memref<320000x128xf32, #tpu.memory_space<hbm>> -> memref<400x80xf32, #tpu.memory_space<hbm>>
        tpu.enqueue_dma source(%dma_start3A_46 : memref<400x80xf32, #tpu.memory_space<hbm>>) target(%arg7 : memref<400x80xf32, #tpu.memory_space<vmem>>) target_semaphore(%run_scoped3A : memref<!tpu.dma_semaphore, #tpu.memory_space<semaphore_mem>>)
        %dma_wait3A = arith.constant 0 : i32
        %dma_wait3A_47 = tpu.memref_slice %arg2[%add3A_23, %dma_wait3A] : memref<320000x128xf32, #tpu.memory_space<hbm>> -> memref<400x80xf32, #tpu.memory_space<hbm>>
        %dma_wait3A_48 = arith.constant 0 : i32
        %dma_wait3A_49 = tpu.memref_slice %arg2[%add3A_23, %dma_wait3A_48] : memref<320000x128xf32, #tpu.memory_space<hbm>> -> memref<400x80xf32, #tpu.memory_space<hbm>>
        tpu.wait_dma2 semaphore(%run_scoped3A : memref<!tpu.dma_semaphore, #tpu.memory_space<semaphore_mem>>) src(%dma_wait3A_49 : memref<400x80xf32, #tpu.memory_space<hbm>>) dst(%arg7 : memref<400x80xf32, #tpu.memory_space<vmem>>)
        tpu.yield
      }) : () -> ()
      %mul3A_24 = arith.constant 5 : i32
      %mul3A_25 = arith.muli %scan3A_20, %mul3A_24 : i32
      %add3A_26 = arith.constant 0 : i32
      %add3A_27 = arith.addi %mul3A_25, %add3A_26 : i32
      "tpu.region"() ({
        %run_scoped3A = tpu.sem_alloc : memref<!tpu.dma_semaphore, #tpu.memory_space<semaphore_mem>>
        %dma_start3A = arith.constant 0 : i32
        %dma_start3A_44 = arith.constant 0 : i32
        %dma_start3A_45 = tpu.memref_slice %arg7[%dma_start3A, %dma_start3A_44] : memref<400x80xf32, #tpu.memory_space<vmem>> -> memref<80x80xf32, #tpu.memory_space<vmem>>
        %dma_start3A_46 = arith.constant 0 : i32
        %dma_start3A_47 = tpu.memref_slice %arg6[%add3A_27, %dma_start3A_46] : memref<125x80xi32, #tpu.memory_space<vmem>> -> memref<1x80xi32, #tpu.memory_space<vmem>>
        %dma_start3A_48 = tpu.memref_squeeze %dma_start3A_47 : memref<1x80xi32, #tpu.memory_space<vmem>> -> memref<80xi32, #tpu.memory_space<vmem>>
        %dma_start3A_49 = arith.constant 0 : i32
        %dma_start3A_50 = arith.constant 0 : i32
        %dma_start3A_51 = tpu.memref_slice %arg8[%dma_start3A_49, %dma_start3A_50] : memref<10000x80xf32, #tpu.memory_space<vmem_shared>> -> memref<10000x80xf32, #tpu.memory_space<vmem_shared>>
        tpu.enqueue_indirect_dma source(%dma_start3A_45 : memref<80x80xf32, #tpu.memory_space<vmem>>) target(%dma_start3A_51 : memref<10000x80xf32, #tpu.memory_space<vmem_shared>>) offsets(%dma_start3A_48 : memref<80xi32, #tpu.memory_space<vmem>>) semaphore(%run_scoped3A : memref<!tpu.dma_semaphore, #tpu.memory_space<semaphore_mem>>) {add = true}
        %dma_wait3A = arith.constant 0 : i32
        %dma_wait3A_52 = arith.constant 0 : i32
        %dma_wait3A_53 = tpu.memref_slice %arg7[%dma_wait3A, %dma_wait3A_52] : memref<400x80xf32, #tpu.memory_space<vmem>> -> memref<80x80xf32, #tpu.memory_space<vmem>>
        %dma_wait3A_54 = arith.constant 0 : i32
        %dma_wait3A_55 = tpu.memref_slice %arg6[%add3A_27, %dma_wait3A_54] : memref<125x80xi32, #tpu.memory_space<vmem>> -> memref<1x80xi32, #tpu.memory_space<vmem>>
        %dma_wait3A_56 = tpu.memref_squeeze %dma_wait3A_55 : memref<1x80xi32, #tpu.memory_space<vmem>> -> memref<80xi32, #tpu.memory_space<vmem>>
        %dma_wait3A_57 = arith.constant 0 : i32
        %dma_wait3A_58 = arith.constant 0 : i32
        %dma_wait3A_59 = tpu.memref_slice %arg8[%dma_wait3A_57, %dma_wait3A_58] : memref<10000x80xf32, #tpu.memory_space<vmem_shared>> -> memref<10000x80xf32, #tpu.memory_space<vmem_shared>>
        tpu.wait_indirect_dma semaphore(%run_scoped3A : memref<!tpu.dma_semaphore, #tpu.memory_space<semaphore_mem>>) src(%dma_wait3A_53 : memref<80x80xf32, #tpu.memory_space<vmem>>) dst(%dma_wait3A_59 : memref<10000x80xf32, #tpu.memory_space<vmem_shared>>)
        tpu.yield
      }) : () -> ()
      %mul3A_28 = arith.constant 5 : i32
      %mul3A_29 = arith.muli %scan3A_20, %mul3A_28 : i32
      %add3A_30 = arith.constant 1 : i32
      %add3A_31 = arith.addi %mul3A_29, %add3A_30 : i32
      "tpu.region"() ({
        %run_scoped3A = tpu.sem_alloc : memref<!tpu.dma_semaphore, #tpu.memory_space<semaphore_mem>>
        %dma_start3A = arith.constant 80 : i32
        %dma_start3A_44 = arith.constant 0 : i32
        %dma_start3A_45 = tpu.memref_slice %arg7[%dma_start3A, %dma_start3A_44] : memref<400x80xf32, #tpu.memory_space<vmem>> -> memref<80x80xf32, #tpu.memory_space<vmem>>
        %dma_start3A_46 = arith.constant 0 : i32
        %dma_start3A_47 = tpu.memref_slice %arg6[%add3A_31, %dma_start3A_46] : memref<125x80xi32, #tpu.memory_space<vmem>> -> memref<1x80xi32, #tpu.memory_space<vmem>>
        %dma_start3A_48 = tpu.memref_squeeze %dma_start3A_47 : memref<1x80xi32, #tpu.memory_space<vmem>> -> memref<80xi32, #tpu.memory_space<vmem>>
        %dma_start3A_49 = arith.constant 0 : i32
        %dma_start3A_50 = arith.constant 0 : i32
        %dma_start3A_51 = tpu.memref_slice %arg8[%dma_start3A_49, %dma_start3A_50] : memref<10000x80xf32, #tpu.memory_space<vmem_shared>> -> memref<10000x80xf32, #tpu.memory_space<vmem_shared>>
        tpu.enqueue_indirect_dma source(%dma_start3A_45 : memref<80x80xf32, #tpu.memory_space<vmem>>) target(%dma_start3A_51 : memref<10000x80xf32, #tpu.memory_space<vmem_shared>>) offsets(%dma_start3A_48 : memref<80xi32, #tpu.memory_space<vmem>>) semaphore(%run_scoped3A : memref<!tpu.dma_semaphore, #tpu.memory_space<semaphore_mem>>) {add = true}
        %dma_wait3A = arith.constant 80 : i32
        %dma_wait3A_52 = arith.constant 0 : i32
        %dma_wait3A_53 = tpu.memref_slice %arg7[%dma_wait3A, %dma_wait3A_52] : memref<400x80xf32, #tpu.memory_space<vmem>> -> memref<80x80xf32, #tpu.memory_space<vmem>>
        %dma_wait3A_54 = arith.constant 0 : i32
        %dma_wait3A_55 = tpu.memref_slice %arg6[%add3A_31, %dma_wait3A_54] : memref<125x80xi32, #tpu.memory_space<vmem>> -> memref<1x80xi32, #tpu.memory_space<vmem>>
        %dma_wait3A_56 = tpu.memref_squeeze %dma_wait3A_55 : memref<1x80xi32, #tpu.memory_space<vmem>> -> memref<80xi32, #tpu.memory_space<vmem>>
        %dma_wait3A_57 = arith.constant 0 : i32
        %dma_wait3A_58 = arith.constant 0 : i32
        %dma_wait3A_59 = tpu.memref_slice %arg8[%dma_wait3A_57, %dma_wait3A_58] : memref<10000x80xf32, #tpu.memory_space<vmem_shared>> -> memref<10000x80xf32, #tpu.memory_space<vmem_shared>>
        tpu.wait_indirect_dma semaphore(%run_scoped3A : memref<!tpu.dma_semaphore, #tpu.memory_space<semaphore_mem>>) src(%dma_wait3A_53 : memref<80x80xf32, #tpu.memory_space<vmem>>) dst(%dma_wait3A_59 : memref<10000x80xf32, #tpu.memory_space<vmem_shared>>)
        tpu.yield
      }) : () -> ()
      %mul3A_32 = arith.constant 5 : i32
      %mul3A_33 = arith.muli %scan3A_20, %mul3A_32 : i32
      %add3A_34 = arith.constant 2 : i32
      %add3A_35 = arith.addi %mul3A_33, %add3A_34 : i32
      "tpu.region"() ({
        %run_scoped3A = tpu.sem_alloc : memref<!tpu.dma_semaphore, #tpu.memory_space<semaphore_mem>>
        %dma_start3A = arith.constant 160 : i32
        %dma_start3A_44 = arith.constant 0 : i32
        %dma_start3A_45 = tpu.memref_slice %arg7[%dma_start3A, %dma_start3A_44] : memref<400x80xf32, #tpu.memory_space<vmem>> -> memref<80x80xf32, #tpu.memory_space<vmem>>
        %dma_start3A_46 = arith.constant 0 : i32
        %dma_start3A_47 = tpu.memref_slice %arg6[%add3A_35, %dma_start3A_46] : memref<125x80xi32, #tpu.memory_space<vmem>> -> memref<1x80xi32, #tpu.memory_space<vmem>>
        %dma_start3A_48 = tpu.memref_squeeze %dma_start3A_47 : memref<1x80xi32, #tpu.memory_space<vmem>> -> memref<80xi32, #tpu.memory_space<vmem>>
        %dma_start3A_49 = arith.constant 0 : i32
        %dma_start3A_50 = arith.constant 0 : i32
        %dma_start3A_51 = tpu.memref_slice %arg8[%dma_start3A_49, %dma_start3A_50] : memref<10000x80xf32, #tpu.memory_space<vmem_shared>> -> memref<10000x80xf32, #tpu.memory_space<vmem_shared>>
        tpu.enqueue_indirect_dma source(%dma_start3A_45 : memref<80x80xf32, #tpu.memory_space<vmem>>) target(%dma_start3A_51 : memref<10000x80xf32, #tpu.memory_space<vmem_shared>>) offsets(%dma_start3A_48 : memref<80xi32, #tpu.memory_space<vmem>>) semaphore(%run_scoped3A : memref<!tpu.dma_semaphore, #tpu.memory_space<semaphore_mem>>) {add = true}
        %dma_wait3A = arith.constant 160 : i32
        %dma_wait3A_52 = arith.constant 0 : i32
        %dma_wait3A_53 = tpu.memref_slice %arg7[%dma_wait3A, %dma_wait3A_52] : memref<400x80xf32, #tpu.memory_space<vmem>> -> memref<80x80xf32, #tpu.memory_space<vmem>>
        %dma_wait3A_54 = arith.constant 0 : i32
        %dma_wait3A_55 = tpu.memref_slice %arg6[%add3A_35, %dma_wait3A_54] : memref<125x80xi32, #tpu.memory_space<vmem>> -> memref<1x80xi32, #tpu.memory_space<vmem>>
        %dma_wait3A_56 = tpu.memref_squeeze %dma_wait3A_55 : memref<1x80xi32, #tpu.memory_space<vmem>> -> memref<80xi32, #tpu.memory_space<vmem>>
        %dma_wait3A_57 = arith.constant 0 : i32
        %dma_wait3A_58 = arith.constant 0 : i32
        %dma_wait3A_59 = tpu.memref_slice %arg8[%dma_wait3A_57, %dma_wait3A_58] : memref<10000x80xf32, #tpu.memory_space<vmem_shared>> -> memref<10000x80xf32, #tpu.memory_space<vmem_shared>>
        tpu.wait_indirect_dma semaphore(%run_scoped3A : memref<!tpu.dma_semaphore, #tpu.memory_space<semaphore_mem>>) src(%dma_wait3A_53 : memref<80x80xf32, #tpu.memory_space<vmem>>) dst(%dma_wait3A_59 : memref<10000x80xf32, #tpu.memory_space<vmem_shared>>)
        tpu.yield
      }) : () -> ()
      %mul3A_36 = arith.constant 5 : i32
      %mul3A_37 = arith.muli %scan3A_20, %mul3A_36 : i32
      %add3A_38 = arith.constant 3 : i32
      %add3A_39 = arith.addi %mul3A_37, %add3A_38 : i32
      "tpu.region"() ({
        %run_scoped3A = tpu.sem_alloc : memref<!tpu.dma_semaphore, #tpu.memory_space<semaphore_mem>>
        %dma_start3A = arith.constant 240 : i32
        %dma_start3A_44 = arith.constant 0 : i32
        %dma_start3A_45 = tpu.memref_slice %arg7[%dma_start3A, %dma_start3A_44] : memref<400x80xf32, #tpu.memory_space<vmem>> -> memref<80x80xf32, #tpu.memory_space<vmem>>
        %dma_start3A_46 = arith.constant 0 : i32
        %dma_start3A_47 = tpu.memref_slice %arg6[%add3A_39, %dma_start3A_46] : memref<125x80xi32, #tpu.memory_space<vmem>> -> memref<1x80xi32, #tpu.memory_space<vmem>>
        %dma_start3A_48 = tpu.memref_squeeze %dma_start3A_47 : memref<1x80xi32, #tpu.memory_space<vmem>> -> memref<80xi32, #tpu.memory_space<vmem>>
        %dma_start3A_49 = arith.constant 0 : i32
        %dma_start3A_50 = arith.constant 0 : i32
        %dma_start3A_51 = tpu.memref_slice %arg8[%dma_start3A_49, %dma_start3A_50] : memref<10000x80xf32, #tpu.memory_space<vmem_shared>> -> memref<10000x80xf32, #tpu.memory_space<vmem_shared>>
        tpu.enqueue_indirect_dma source(%dma_start3A_45 : memref<80x80xf32, #tpu.memory_space<vmem>>) target(%dma_start3A_51 : memref<10000x80xf32, #tpu.memory_space<vmem_shared>>) offsets(%dma_start3A_48 : memref<80xi32, #tpu.memory_space<vmem>>) semaphore(%run_scoped3A : memref<!tpu.dma_semaphore, #tpu.memory_space<semaphore_mem>>) {add = true}
        %dma_wait3A = arith.constant 240 : i32
        %dma_wait3A_52 = arith.constant 0 : i32
        %dma_wait3A_53 = tpu.memref_slice %arg7[%dma_wait3A, %dma_wait3A_52] : memref<400x80xf32, #tpu.memory_space<vmem>> -> memref<80x80xf32, #tpu.memory_space<vmem>>
        %dma_wait3A_54 = arith.constant 0 : i32
        %dma_wait3A_55 = tpu.memref_slice %arg6[%add3A_39, %dma_wait3A_54] : memref<125x80xi32, #tpu.memory_space<vmem>> -> memref<1x80xi32, #tpu.memory_space<vmem>>
        %dma_wait3A_56 = tpu.memref_squeeze %dma_wait3A_55 : memref<1x80xi32, #tpu.memory_space<vmem>> -> memref<80xi32, #tpu.memory_space<vmem>>
        %dma_wait3A_57 = arith.constant 0 : i32
        %dma_wait3A_58 = arith.constant 0 : i32
        %dma_wait3A_59 = tpu.memref_slice %arg8[%dma_wait3A_57, %dma_wait3A_58] : memref<10000x80xf32, #tpu.memory_space<vmem_shared>> -> memref<10000x80xf32, #tpu.memory_space<vmem_shared>>
        tpu.wait_indirect_dma semaphore(%run_scoped3A : memref<!tpu.dma_semaphore, #tpu.memory_space<semaphore_mem>>) src(%dma_wait3A_53 : memref<80x80xf32, #tpu.memory_space<vmem>>) dst(%dma_wait3A_59 : memref<10000x80xf32, #tpu.memory_space<vmem_shared>>)
        tpu.yield
      }) : () -> ()
      %mul3A_40 = arith.constant 5 : i32
      %mul3A_41 = arith.muli %scan3A_20, %mul3A_40 : i32
      %add3A_42 = arith.constant 4 : i32
      %add3A_43 = arith.addi %mul3A_41, %add3A_42 : i32
      "tpu.region"() ({
        %run_scoped3A = tpu.sem_alloc : memref<!tpu.dma_semaphore, #tpu.memory_space<semaphore_mem>>
        %dma_start3A = arith.constant 320 : i32
        %dma_start3A_44 = arith.constant 0 : i32
        %dma_start3A_45 = tpu.memref_slice %arg7[%dma_start3A, %dma_start3A_44] : memref<400x80xf32, #tpu.memory_space<vmem>> -> memref<80x80xf32, #tpu.memory_space<vmem>>
        %dma_start3A_46 = arith.constant 0 : i32
        %dma_start3A_47 = tpu.memref_slice %arg6[%add3A_43, %dma_start3A_46] : memref<125x80xi32, #tpu.memory_space<vmem>> -> memref<1x80xi32, #tpu.memory_space<vmem>>
        %dma_start3A_48 = tpu.memref_squeeze %dma_start3A_47 : memref<1x80xi32, #tpu.memory_space<vmem>> -> memref<80xi32, #tpu.memory_space<vmem>>
        %dma_start3A_49 = arith.constant 0 : i32
        %dma_start3A_50 = arith.constant 0 : i32
        %dma_start3A_51 = tpu.memref_slice %arg8[%dma_start3A_49, %dma_start3A_50] : memref<10000x80xf32, #tpu.memory_space<vmem_shared>> -> memref<10000x80xf32, #tpu.memory_space<vmem_shared>>
        tpu.enqueue_indirect_dma source(%dma_start3A_45 : memref<80x80xf32, #tpu.memory_space<vmem>>) target(%dma_start3A_51 : memref<10000x80xf32, #tpu.memory_space<vmem_shared>>) offsets(%dma_start3A_48 : memref<80xi32, #tpu.memory_space<vmem>>) semaphore(%run_scoped3A : memref<!tpu.dma_semaphore, #tpu.memory_space<semaphore_mem>>) {add = true}
        %dma_wait3A = arith.constant 320 : i32
        %dma_wait3A_52 = arith.constant 0 : i32
        %dma_wait3A_53 = tpu.memref_slice %arg7[%dma_wait3A, %dma_wait3A_52] : memref<400x80xf32, #tpu.memory_space<vmem>> -> memref<80x80xf32, #tpu.memory_space<vmem>>
        %dma_wait3A_54 = arith.constant 0 : i32
        %dma_wait3A_55 = tpu.memref_slice %arg6[%add3A_43, %dma_wait3A_54] : memref<125x80xi32, #tpu.memory_space<vmem>> -> memref<1x80xi32, #tpu.memory_space<vmem>>
        %dma_wait3A_56 = tpu.memref_squeeze %dma_wait3A_55 : memref<1x80xi32, #tpu.memory_space<vmem>> -> memref<80xi32, #tpu.memory_space<vmem>>
        %dma_wait3A_57 = arith.constant 0 : i32
        %dma_wait3A_58 = arith.constant 0 : i32
        %dma_wait3A_59 = tpu.memref_slice %arg8[%dma_wait3A_57, %dma_wait3A_58] : memref<10000x80xf32, #tpu.memory_space<vmem_shared>> -> memref<10000x80xf32, #tpu.memory_space<vmem_shared>>
        tpu.wait_indirect_dma semaphore(%run_scoped3A : memref<!tpu.dma_semaphore, #tpu.memory_space<semaphore_mem>>) src(%dma_wait3A_53 : memref<80x80xf32, #tpu.memory_space<vmem>>) dst(%dma_wait3A_59 : memref<10000x80xf32, #tpu.memory_space<vmem_shared>>)
        tpu.yield
      }) : () -> ()
    }
    %scan3A_11 = arith.constant 25 : i32
    %barrier3A_12 = arith.constant 0 : index
    tpu.barrier barrier_id(%barrier3A_12)
    %mul3A_13 = arith.constant 625 : i32
    %mul3A_14 = arith.muli %arg1, %mul3A_13 : i32
    %mul3A_15 = arith.constant 10000 : i32
    %mul3A_16 = arith.muli %arg0, %mul3A_15 : i32
    %mul3A_17 = arith.constant 625 : i32
    %mul3A_18 = arith.muli %arg1, %mul3A_17 : i32
    %add3A_19 = arith.addi %mul3A_16, %mul3A_18 : i32
    "tpu.region"() ({
      %run_scoped3A = tpu.sem_alloc : memref<!tpu.dma_semaphore, #tpu.memory_space<semaphore_mem>>
      %dma_start3A = arith.constant 0 : i32
      %dma_start3A_20 = tpu.memref_slice %arg5[%add3A_19, %dma_start3A] : memref<20000x80xf32, #tpu.memory_space<hbm>> -> memref<625x80xf32, #tpu.memory_space<hbm>>
      %dma_start3A_21 = arith.constant 0 : i32
      %dma_start3A_22 = tpu.memref_slice %arg8[%mul3A_14, %dma_start3A_21] : memref<10000x80xf32, #tpu.memory_space<vmem_shared>> -> memref<625x80xf32, #tpu.memory_space<vmem_shared>>
      tpu.enqueue_dma source(%dma_start3A_22 : memref<625x80xf32, #tpu.memory_space<vmem_shared>>) target(%dma_start3A_20 : memref<625x80xf32, #tpu.memory_space<hbm>>) target_semaphore(%run_scoped3A : memref<!tpu.dma_semaphore, #tpu.memory_space<semaphore_mem>>)
      %dma_wait3A = arith.constant 0 : i32
      %dma_wait3A_23 = tpu.memref_slice %arg5[%add3A_19, %dma_wait3A] : memref<20000x80xf32, #tpu.memory_space<hbm>> -> memref<625x80xf32, #tpu.memory_space<hbm>>
      %dma_wait3A_24 = arith.constant 0 : i32
      %dma_wait3A_25 = tpu.memref_slice %arg8[%mul3A_14, %dma_wait3A_24] : memref<10000x80xf32, #tpu.memory_space<vmem_shared>> -> memref<625x80xf32, #tpu.memory_space<vmem_shared>>
      tpu.wait_dma2 semaphore(%run_scoped3A : memref<!tpu.dma_semaphore, #tpu.memory_space<semaphore_mem>>) src(%dma_wait3A_25 : memref<625x80xf32, #tpu.memory_space<vmem_shared>>) dst(%dma_wait3A_23 : memref<625x80xf32, #tpu.memory_space<hbm>>)
      tpu.yield
    }) : () -> ()
    return
  }
}

module attributes {stable_mosaic.version = 14 : i64} {
  func.func @_node_mlp_body(%arg0: memref<10000x160xf32, #tpu.memory_space<vmem>>, %arg1: memref<160x16xf32, #tpu.memory_space<vmem>>, %arg2: memref<1x16xf32, #tpu.memory_space<vmem>>, %arg3: memref<16x16xf32, #tpu.memory_space<vmem>>, %arg4: memref<1x16xf32, #tpu.memory_space<vmem>>, %arg5: memref<16x48xf32, #tpu.memory_space<vmem>>, %arg6: memref<16x48xf32, #tpu.memory_space<vmem>>, %arg7: memref<20000x64xf32, #tpu.memory_space<vmem>>) attributes {dimension_semantics = [], scalar_prefetch = 0 : i64, scratch_operands = 0 : i64, tpu.core_type = #tpu.core_type<tc>} {
    %get3A = arith.constant 0 : index
    %get3A_0 = arith.constant 0 : index
    %get3A_1 = vector.load %arg0[%get3A, %get3A_0] : memref<10000x160xf32, #tpu.memory_space<vmem>>, vector<10000x160xf32>
    %get3A_2 = arith.constant 0 : index
    %get3A_3 = arith.constant 0 : index
    %get3A_4 = vector.load %arg1[%get3A_2, %get3A_3] : memref<160x16xf32, #tpu.memory_space<vmem>>, vector<160x16xf32>
    %dot_general3A = arith.constant dense<0.000000e+00> : vector<10000x16xf32>
    %dot_general3A_5 = tpu.matmul %get3A_1, %get3A_4, %dot_general3A {dimension_numbers = #tpu.dot_dimension_numbers<[1], [0], [0], [1], [0, 0, 1, 1], [], []>, transpose_lhs_hint = false} : vector<10000x160xf32>, vector<160x16xf32>, vector<10000x16xf32> -> vector<10000x16xf32>
    %get3A_6 = arith.constant 0 : index
    %get3A_7 = arith.constant 0 : index
    %get3A_8 = vector.load %arg2[%get3A_6, %get3A_7] : memref<1x16xf32, #tpu.memory_space<vmem>>, vector<1x16xf32>
    %add3A = vector.broadcast %get3A_8 : vector<1x16xf32> to vector<10000x16xf32>
    %add3A_9 = arith.addf %dot_general3A_5, %add3A : vector<10000x16xf32>
    %max3A = arith.constant 0.000000e+00 : f32
    %max3A_10 = vector.broadcast %max3A : f32 to vector<10000x16xf32>
    %max3A_11 = arith.maximumf %add3A_9, %max3A_10 : vector<10000x16xf32>
    %get3A_12 = arith.constant 0 : index
    %get3A_13 = arith.constant 0 : index
    %get3A_14 = vector.load %arg3[%get3A_12, %get3A_13] : memref<16x16xf32, #tpu.memory_space<vmem>>, vector<16x16xf32>
    %dot_general3A_15 = arith.constant dense<0.000000e+00> : vector<10000x16xf32>
    %dot_general3A_16 = tpu.matmul %max3A_11, %get3A_14, %dot_general3A_15 {dimension_numbers = #tpu.dot_dimension_numbers<[1], [0], [0], [1], [0, 0, 1, 1], [], []>, transpose_lhs_hint = false} : vector<10000x16xf32>, vector<16x16xf32>, vector<10000x16xf32> -> vector<10000x16xf32>
    %get3A_17 = arith.constant 0 : index
    %get3A_18 = arith.constant 0 : index
    %get3A_19 = vector.load %arg4[%get3A_17, %get3A_18] : memref<1x16xf32, #tpu.memory_space<vmem>>, vector<1x16xf32>
    %add3A_20 = vector.broadcast %get3A_19 : vector<1x16xf32> to vector<10000x16xf32>
    %add3A_21 = arith.addf %dot_general3A_16, %add3A_20 : vector<10000x16xf32>
    %get3A_22 = arith.constant 0 : index
    %get3A_23 = arith.constant 0 : index
    %get3A_24 = vector.load %arg5[%get3A_22, %get3A_23] : memref<16x48xf32, #tpu.memory_space<vmem>>, vector<16x48xf32>
    %dot_general3A_25 = arith.constant dense<0.000000e+00> : vector<10000x48xf32>
    %dot_general3A_26 = tpu.matmul %add3A_21, %get3A_24, %dot_general3A_25 {dimension_numbers = #tpu.dot_dimension_numbers<[1], [0], [0], [1], [0, 0, 1, 1], [], []>, transpose_lhs_hint = false} : vector<10000x16xf32>, vector<16x48xf32>, vector<10000x48xf32> -> vector<10000x48xf32>
    %get3A_27 = arith.constant 0 : index
    %get3A_28 = arith.constant 0 : index
    %get3A_29 = vector.load %arg6[%get3A_27, %get3A_28] : memref<16x48xf32, #tpu.memory_space<vmem>>, vector<16x48xf32>
    %dot_general3A_30 = arith.constant dense<0.000000e+00> : vector<10000x48xf32>
    %dot_general3A_31 = tpu.matmul %add3A_21, %get3A_29, %dot_general3A_30 {dimension_numbers = #tpu.dot_dimension_numbers<[1], [0], [0], [1], [0, 0, 1, 1], [], []>, transpose_lhs_hint = false} : vector<10000x16xf32>, vector<16x48xf32>, vector<10000x48xf32> -> vector<10000x48xf32>
    %concatenate3A = tpu.concatenate %dot_general3A_26, %add3A_21 in 1 : vector<10000x48xf32>, vector<10000x16xf32> -> vector<10000x64xf32>
    %swap3A = arith.constant 0 : index
    %swap3A_32 = arith.constant 0 : index
    %swap3A_33 = vector.load %arg7[%swap3A, %swap3A_32] : memref<20000x64xf32, #tpu.memory_space<vmem>>, vector<10000x64xf32>
    tpu.vector_store %arg7[%swap3A, %swap3A_32], %concatenate3A {strides = array<i32>} : memref<20000x64xf32, #tpu.memory_space<vmem>>, vector<10000x64xf32>,
    %broadcast_in_dim3A = arith.constant 0.000000e+00 : f32
    %broadcast_in_dim3A_34 = vector.broadcast %broadcast_in_dim3A : f32 to vector<10000x16xf32>
    %concatenate3A_35 = tpu.concatenate %dot_general3A_31, %broadcast_in_dim3A_34 in 1 : vector<10000x48xf32>, vector<10000x16xf32> -> vector<10000x64xf32>
    %swap3A_36 = arith.constant 10000 : index
    %swap3A_37 = arith.constant 0 : index
    %swap3A_38 = vector.load %arg7[%swap3A_36, %swap3A_37] : memref<20000x64xf32, #tpu.memory_space<vmem>>, vector<10000x64xf32>
    tpu.vector_store %arg7[%swap3A_36, %swap3A_37], %concatenate3A_35 {strides = array<i32>} : memref<20000x64xf32, #tpu.memory_space<vmem>>, vector<10000x64xf32>,
    return
  }
}

module attributes {stable_mosaic.version = 14 : i64} {
  func.func @_edge_body(%arg0: i32, %arg1: memref<3200x128xbf16, #tpu.memory_space<vmem>>, %arg2: memref<3200x128xf32, #tpu.memory_space<vmem>>, %arg3: memref<80x16xbf16, #tpu.memory_space<vmem>>, %arg4: memref<1x16xf32, #tpu.memory_space<vmem>>, %arg5: memref<16x16xbf16, #tpu.memory_space<vmem>>, %arg6: memref<1x16xf32, #tpu.memory_space<vmem>>, %arg7: memref<1x48xf32, #tpu.memory_space<vmem>>, %arg8: memref<16x48xbf16, #tpu.memory_space<vmem>>, %arg9: memref<48x512xbf16, #tpu.memory_space<vmem>>, %arg10: memref<1x512xbf16, #tpu.memory_space<vmem>>, %arg11: memref<16x512xbf16, #tpu.memory_space<vmem>>, %arg12: memref<512x32xbf16, #tpu.memory_space<vmem>>, %arg13: memref<16x48xbf16, #tpu.memory_space<vmem>>, %arg14: memref<3x48xbf16, #tpu.memory_space<vmem>>, %arg15: memref<1x16xf32, #tpu.memory_space<vmem>>, %arg16: memref<3200x128xf32, #tpu.memory_space<vmem>>) attributes {dimension_semantics = [#tpu.dimension_semantics<arbitrary>], iteration_bounds = array<i64: 100>, scalar_prefetch = 0 : i64, scratch_operands = 0 : i64, tpu.core_type = #tpu.core_type<tc>, window_params = [{transform_indices = @transform_0, window_bounds = array<i64: 3200, 128>}, {transform_indices = @transform_1, window_bounds = array<i64: 3200, 128>}, {pipeline_mode = #tpu.pipeline_mode<synchronous>, transform_indices = @transform_2, window_bounds = array<i64: 80, 16>}, {pipeline_mode = #tpu.pipeline_mode<synchronous>, transform_indices = @transform_3, window_bounds = array<i64: 1, 16>}, {pipeline_mode = #tpu.pipeline_mode<synchronous>, transform_indices = @transform_4, window_bounds = array<i64: 16, 16>}, {pipeline_mode = #tpu.pipeline_mode<synchronous>, transform_indices = @transform_5, window_bounds = array<i64: 1, 16>}, {pipeline_mode = #tpu.pipeline_mode<synchronous>, transform_indices = @transform_6, window_bounds = array<i64: 1, 48>}, {pipeline_mode = #tpu.pipeline_mode<synchronous>, transform_indices = @transform_7, window_bounds = array<i64: 16, 48>}, {pipeline_mode = #tpu.pipeline_mode<synchronous>, transform_indices = @transform_8, window_bounds = array<i64: 48, 512>}, {pipeline_mode = #tpu.pipeline_mode<synchronous>, transform_indices = @transform_9, window_bounds = array<i64: 1, 512>}, {pipeline_mode = #tpu.pipeline_mode<synchronous>, transform_indices = @transform_10, window_bounds = array<i64: 16, 512>}, {pipeline_mode = #tpu.pipeline_mode<synchronous>, transform_indices = @transform_11, window_bounds = array<i64: 512, 32>}, {pipeline_mode = #tpu.pipeline_mode<synchronous>, transform_indices = @transform_12, window_bounds = array<i64: 16, 48>}, {pipeline_mode = #tpu.pipeline_mode<synchronous>, transform_indices = @transform_13, window_bounds = array<i64: 3, 48>}, {pipeline_mode = #tpu.pipeline_mode<synchronous>, transform_indices = @transform_14, window_bounds = array<i64: 1, 16>}, {transform_indices = @transform_15, window_bounds = array<i64: 3200, 128>}]} {
    %get3A = arith.constant 0 : index
    %get3A_0 = arith.constant 0 : index
    %get3A_1 = vector.load %arg1[%get3A, %get3A_0] : memref<3200x128xbf16, #tpu.memory_space<vmem>>, vector<3200x128xbf16>
    %slice3A = vector.extract_strided_slice %get3A_1 {offsets = [0, 0], sizes = [3200, 80], strides = [1, 1]} : vector<3200x128xbf16> to vector<3200x80xbf16>
    %slice3A_2 = vector.extract_strided_slice %get3A_1 {offsets = [0, 80], sizes = [3200, 4], strides = [1, 1]} : vector<3200x128xbf16> to vector<3200x4xbf16>
    %convert_element_type3A = arith.extf %slice3A_2 : vector<3200x4xbf16> to vector<3200x4xf32>
    %get3A_3 = arith.constant 0 : index
    %get3A_4 = arith.constant 0 : index
    %get3A_5 = vector.load %arg2[%get3A_3, %get3A_4] : memref<3200x128xf32, #tpu.memory_space<vmem>>, vector<3200x128xf32>
    %slice3A_6 = vector.extract_strided_slice %get3A_5 {offsets = [0, 0], sizes = [3200, 48], strides = [1, 1]} : vector<3200x128xf32> to vector<3200x48xf32>
    %slice3A_7 = vector.extract_strided_slice %get3A_5 {offsets = [0, 48], sizes = [3200, 16], strides = [1, 1]} : vector<3200x128xf32> to vector<3200x16xf32>
    %slice3A_8 = vector.extract_strided_slice %get3A_5 {offsets = [0, 64], sizes = [3200, 48], strides = [1, 1]} : vector<3200x128xf32> to vector<3200x48xf32>
    %get3A_9 = arith.constant 0 : index
    %get3A_10 = arith.constant 0 : index
    %get3A_11 = vector.load %arg3[%get3A_9, %get3A_10] : memref<80x16xbf16, #tpu.memory_space<vmem>>, vector<80x16xbf16>
    %dot_general3A = arith.constant dense<0.000000e+00> : vector<3200x16xf32>
    %dot_general3A_12 = tpu.matmul %slice3A, %get3A_11, %dot_general3A {dimension_numbers = #tpu.dot_dimension_numbers<[1], [0], [0], [1], [0, 0, 1, 1], [], []>, transpose_lhs_hint = false} : vector<3200x80xbf16>, vector<80x16xbf16>, vector<3200x16xf32> -> vector<3200x16xf32>
    %get3A_13 = arith.constant 0 : index
    %get3A_14 = arith.constant 0 : index
    %get3A_15 = vector.load %arg4[%get3A_13, %get3A_14] : memref<1x16xf32, #tpu.memory_space<vmem>>, vector<1x16xf32>
    %add3A = vector.broadcast %get3A_15 : vector<1x16xf32> to vector<3200x16xf32>
    %add3A_16 = arith.addf %dot_general3A_12, %add3A : vector<3200x16xf32>
    %max3A = arith.constant 0.000000e+00 : f32
    %max3A_17 = vector.broadcast %max3A : f32 to vector<3200x16xf32>
    %max3A_18 = arith.maximumf %add3A_16, %max3A_17 : vector<3200x16xf32>
    %convert_element_type3A_19 = arith.truncf %max3A_18 : vector<3200x16xf32> to vector<3200x16xbf16>
    %get3A_20 = arith.constant 0 : index
    %get3A_21 = arith.constant 0 : index
    %get3A_22 = vector.load %arg5[%get3A_20, %get3A_21] : memref<16x16xbf16, #tpu.memory_space<vmem>>, vector<16x16xbf16>
    %dot_general3A_23 = arith.constant dense<0.000000e+00> : vector<3200x16xf32>
    %dot_general3A_24 = tpu.matmul %convert_element_type3A_19, %get3A_22, %dot_general3A_23 {dimension_numbers = #tpu.dot_dimension_numbers<[1], [0], [0], [1], [0, 0, 1, 1], [], []>, transpose_lhs_hint = false} : vector<3200x16xbf16>, vector<16x16xbf16>, vector<3200x16xf32> -> vector<3200x16xf32>
    %get3A_25 = arith.constant 0 : index
    %get3A_26 = arith.constant 0 : index
    %get3A_27 = vector.load %arg6[%get3A_25, %get3A_26] : memref<1x16xf32, #tpu.memory_space<vmem>>, vector<1x16xf32>
    %add3A_28 = vector.broadcast %get3A_27 : vector<1x16xf32> to vector<3200x16xf32>
    %add3A_29 = arith.addf %dot_general3A_24, %add3A_28 : vector<3200x16xf32>
    %convert_element_type3A_30 = arith.truncf %add3A_29 : vector<3200x16xf32> to vector<3200x16xbf16>
    %get3A_31 = arith.constant 0 : index
    %get3A_32 = arith.constant 0 : index
    %get3A_33 = vector.load %arg8[%get3A_31, %get3A_32] : memref<16x48xbf16, #tpu.memory_space<vmem>>, vector<16x48xbf16>
    %dot_general3A_34 = arith.constant dense<0.000000e+00> : vector<3200x48xf32>
    %dot_general3A_35 = tpu.matmul %convert_element_type3A_30, %get3A_33, %dot_general3A_34 {dimension_numbers = #tpu.dot_dimension_numbers<[1], [0], [0], [1], [0, 0, 1, 1], [], []>, transpose_lhs_hint = false} : vector<3200x16xbf16>, vector<16x48xbf16>, vector<3200x48xf32> -> vector<3200x48xf32>
    %add3A_36 = arith.addf %dot_general3A_35, %slice3A_6 : vector<3200x48xf32>
    %add3A_37 = arith.addf %add3A_36, %slice3A_8 : vector<3200x48xf32>
    %get3A_38 = arith.constant 0 : index
    %get3A_39 = arith.constant 0 : index
    %get3A_40 = vector.load %arg7[%get3A_38, %get3A_39] : memref<1x48xf32, #tpu.memory_space<vmem>>, vector<1x48xf32>
    %add3A_41 = vector.broadcast %get3A_40 : vector<1x48xf32> to vector<3200x48xf32>
    %add3A_42 = arith.addf %add3A_37, %add3A_41 : vector<3200x48xf32>
    %max3A_43 = arith.constant 0.000000e+00 : f32
    %max3A_44 = vector.broadcast %max3A_43 : f32 to vector<3200x48xf32>
    %max3A_45 = arith.maximumf %add3A_42, %max3A_44 : vector<3200x48xf32>
    %convert_element_type3A_46 = arith.truncf %max3A_45 : vector<3200x48xf32> to vector<3200x48xbf16>
    %get3A_47 = arith.constant 0 : index
    %get3A_48 = arith.constant 0 : index
    %get3A_49 = vector.load %arg9[%get3A_47, %get3A_48] : memref<48x512xbf16, #tpu.memory_space<vmem>>, vector<48x512xbf16>
    %dot_general3A_50 = arith.constant dense<0.000000e+00> : vector<3200x512xf32>
    %dot_general3A_51 = tpu.matmul %convert_element_type3A_46, %get3A_49, %dot_general3A_50 {dimension_numbers = #tpu.dot_dimension_numbers<[1], [0], [0], [1], [0, 0, 1, 1], [], []>, transpose_lhs_hint = false} : vector<3200x48xbf16>, vector<48x512xbf16>, vector<3200x512xf32> -> vector<3200x512xf32>
    %get3A_52 = arith.constant 0 : index
    %get3A_53 = arith.constant 0 : index
    %get3A_54 = vector.load %arg10[%get3A_52, %get3A_53] : memref<1x512xbf16, #tpu.memory_space<vmem>>, vector<1x512xbf16>
    %convert_element_type3A_55 = arith.extf %get3A_54 : vector<1x512xbf16> to vector<1x512xf32>
    %add3A_56 = vector.broadcast %convert_element_type3A_55 : vector<1x512xf32> to vector<3200x512xf32>
    %add3A_57 = arith.addf %dot_general3A_51, %add3A_56 : vector<3200x512xf32>
    %convert_element_type3A_58 = arith.truncf %add3A_57 : vector<3200x512xf32> to vector<3200x512xbf16>
    %convert_element_type3A_59 = arith.truncf %slice3A_7 : vector<3200x16xf32> to vector<3200x16xbf16>
    %get3A_60 = arith.constant 0 : index
    %get3A_61 = arith.constant 0 : index
    %get3A_62 = vector.load %arg11[%get3A_60, %get3A_61] : memref<16x512xbf16, #tpu.memory_space<vmem>>, vector<16x512xbf16>
    %dot_general3A_63 = arith.constant dense<0.000000e+00> : vector<3200x512xf32>
    %dot_general3A_64 = tpu.matmul %convert_element_type3A_59, %get3A_62, %dot_general3A_63 {dimension_numbers = #tpu.dot_dimension_numbers<[1], [0], [0], [1], [0, 0, 1, 1], [], []>, transpose_lhs_hint = false} : vector<3200x16xbf16>, vector<16x512xbf16>, vector<3200x512xf32> -> vector<3200x512xf32>
    %convert_element_type3A_65 = arith.truncf %dot_general3A_64 : vector<3200x512xf32> to vector<3200x512xbf16>
    %mul3A = arith.mulf %convert_element_type3A_58, %convert_element_type3A_65 : vector<3200x512xbf16>
    %get3A_66 = arith.constant 0 : index
    %get3A_67 = arith.constant 0 : index
    %get3A_68 = vector.load %arg12[%get3A_66, %get3A_67] : memref<512x32xbf16, #tpu.memory_space<vmem>>, vector<512x32xbf16>
    %dot_general3A_69 = arith.constant dense<0.000000e+00> : vector<3200x32xf32>
    %dot_general3A_70 = tpu.matmul %mul3A, %get3A_68, %dot_general3A_69 {dimension_numbers = #tpu.dot_dimension_numbers<[1], [0], [0], [1], [0, 0, 1, 1], [], []>, transpose_lhs_hint = false} : vector<3200x512xbf16>, vector<512x32xbf16>, vector<3200x32xf32> -> vector<3200x32xf32>
    %slice3A_71 = vector.extract_strided_slice %dot_general3A_70 {offsets = [0, 0], sizes = [3200, 16], strides = [1, 1]} : vector<3200x32xf32> to vector<3200x16xf32>
    %slice3A_72 = vector.extract_strided_slice %convert_element_type3A {offsets = [0, 0], sizes = [3200, 1], strides = [1, 1]} : vector<3200x4xf32> to vector<3200x1xf32>
    %mul3A_73 = vector.broadcast %slice3A_72 : vector<3200x1xf32> to vector<3200x16xf32>
    %mul3A_74 = arith.mulf %slice3A_71, %mul3A_73 : vector<3200x16xf32>
    %slice3A_75 = vector.extract_strided_slice %dot_general3A_70 {offsets = [0, 16], sizes = [3200, 16], strides = [1, 1]} : vector<3200x32xf32> to vector<3200x16xf32>
    %convert_element_type3A_76 = arith.truncf %slice3A_75 : vector<3200x16xf32> to vector<3200x16xbf16>
    %get3A_77 = arith.constant 0 : index
    %get3A_78 = arith.constant 0 : index
    %get3A_79 = vector.load %arg13[%get3A_77, %get3A_78] : memref<16x48xbf16, #tpu.memory_space<vmem>>, vector<16x48xbf16>
    %dot_general3A_80 = arith.constant dense<0.000000e+00> : vector<3200x48xf32>
    %dot_general3A_81 = tpu.matmul %convert_element_type3A_76, %get3A_79, %dot_general3A_80 {dimension_numbers = #tpu.dot_dimension_numbers<[1], [0], [0], [1], [0, 0, 1, 1], [], []>, transpose_lhs_hint = false} : vector<3200x16xbf16>, vector<16x48xbf16>, vector<3200x48xf32> -> vector<3200x48xf32>
    %slice3A_82 = vector.extract_strided_slice %get3A_1 {offsets = [0, 81], sizes = [3200, 3], strides = [1, 1]} : vector<3200x128xbf16> to vector<3200x3xbf16>
    %get3A_83 = arith.constant 0 : index
    %get3A_84 = arith.constant 0 : index
    %get3A_85 = vector.load %arg14[%get3A_83, %get3A_84] : memref<3x48xbf16, #tpu.memory_space<vmem>>, vector<3x48xbf16>
    %dot_general3A_86 = arith.constant dense<0.000000e+00> : vector<3200x48xf32>
    %dot_general3A_87 = tpu.matmul %slice3A_82, %get3A_85, %dot_general3A_86 {dimension_numbers = #tpu.dot_dimension_numbers<[1], [0], [0], [1], [0, 0, 1, 1], [], []>, transpose_lhs_hint = false} : vector<3200x3xbf16>, vector<3x48xbf16>, vector<3200x48xf32> -> vector<3200x48xf32>
    %mul3A_88 = arith.mulf %dot_general3A_81, %dot_general3A_87 : vector<3200x48xf32>
    %concatenate3A = tpu.concatenate %mul3A_74, %mul3A_88 in 1 : vector<3200x16xf32>, vector<3200x48xf32> -> vector<3200x64xf32>
    %swap3A = arith.constant 0 : index
    %swap3A_89 = arith.constant 0 : index
    %swap3A_90 = vector.load %arg16[%swap3A, %swap3A_89] : memref<3200x128xf32, #tpu.memory_space<vmem>>, vector<3200x64xf32>
    tpu.vector_store %arg16[%swap3A, %swap3A_89], %concatenate3A {strides = array<i32>} : memref<3200x128xf32, #tpu.memory_space<vmem>>, vector<3200x64xf32>,
    %get3A_91 = arith.constant 0 : index
    %get3A_92 = arith.constant 0 : index
    %get3A_93 = vector.load %arg15[%get3A_91, %get3A_92] : memref<1x16xf32, #tpu.memory_space<vmem>>, vector<1x16xf32>
    %broadcast_in_dim3A = vector.shape_cast %get3A_93 : vector<1x16xf32> to vector<1x16xf32>
    %broadcast_in_dim3A_94 = vector.broadcast %broadcast_in_dim3A : vector<1x16xf32> to vector<3200x16xf32>
    %swap3A_95 = arith.constant 0 : index
    %swap3A_96 = arith.constant 64 : index
    %swap3A_97 = vector.load %arg16[%swap3A_95, %swap3A_96] : memref<3200x128xf32, #tpu.memory_space<vmem>>, vector<3200x16xf32>
    tpu.vector_store %arg16[%swap3A_95, %swap3A_96], %broadcast_in_dim3A_94 {strides = array<i32>} : memref<3200x128xf32, #tpu.memory_space<vmem>>, vector<3200x16xf32>,
    return
  }
  func.func @transform_0(%arg0: i32) -> (i32, i32) {
    %c0_i32 = arith.constant 0 : i32
    %c0_i32_0 = arith.constant 0 : i32
    return %arg0, %c0_i32 : i32, i32
  }
  func.func @transform_1(%arg0: i32) -> (i32, i32) {
    %c0_i32 = arith.constant 0 : i32
    %c0_i32_0 = arith.constant 0 : i32
    return %arg0, %c0_i32 : i32, i32
  }
  func.func @transform_2(%arg0: i32) -> (i32, i32) {
    %c0_i32 = arith.constant 0 : i32
    %c0_i32_0 = arith.constant 0 : i32
    %c0_i32_1 = arith.constant 0 : i32
    return %c0_i32, %c0_i32_0 : i32, i32
  }
  func.func @transform_3(%arg0: i32) -> (i32, i32) {
    %c0_i32 = arith.constant 0 : i32
    %c0_i32_0 = arith.constant 0 : i32
    %c0_i32_1 = arith.constant 0 : i32
    return %c0_i32, %c0_i32_0 : i32, i32
  }
  func.func @transform_4(%arg0: i32) -> (i32, i32) {
    %c0_i32 = arith.constant 0 : i32
    %c0_i32_0 = arith.constant 0 : i32
    %c0_i32_1 = arith.constant 0 : i32
    return %c0_i32, %c0_i32_0 : i32, i32
  }
  func.func @transform_5(%arg0: i32) -> (i32, i32) {
    %c0_i32 = arith.constant 0 : i32
    %c0_i32_0 = arith.constant 0 : i32
    %c0_i32_1 = arith.constant 0 : i32
    return %c0_i32, %c0_i32_0 : i32, i32
  }
  func.func @transform_6(%arg0: i32) -> (i32, i32) {
    %c0_i32 = arith.constant 0 : i32
    %c0_i32_0 = arith.constant 0 : i32
    %c0_i32_1 = arith.constant 0 : i32
    return %c0_i32, %c0_i32_0 : i32, i32
  }
  func.func @transform_7(%arg0: i32) -> (i32, i32) {
    %c0_i32 = arith.constant 0 : i32
    %c0_i32_0 = arith.constant 0 : i32
    %c0_i32_1 = arith.constant 0 : i32
    return %c0_i32, %c0_i32_0 : i32, i32
  }
  func.func @transform_8(%arg0: i32) -> (i32, i32) {
    %c0_i32 = arith.constant 0 : i32
    %c0_i32_0 = arith.constant 0 : i32
    %c0_i32_1 = arith.constant 0 : i32
    return %c0_i32, %c0_i32_0 : i32, i32
  }
  func.func @transform_9(%arg0: i32) -> (i32, i32) {
    %c0_i32 = arith.constant 0 : i32
    %c0_i32_0 = arith.constant 0 : i32
    %c0_i32_1 = arith.constant 0 : i32
    return %c0_i32, %c0_i32_0 : i32, i32
  }
  func.func @transform_10(%arg0: i32) -> (i32, i32) {
    %c0_i32 = arith.constant 0 : i32
    %c0_i32_0 = arith.constant 0 : i32
    %c0_i32_1 = arith.constant 0 : i32
    return %c0_i32, %c0_i32_0 : i32, i32
  }
  func.func @transform_11(%arg0: i32) -> (i32, i32) {
    %c0_i32 = arith.constant 0 : i32
    %c0_i32_0 = arith.constant 0 : i32
    %c0_i32_1 = arith.constant 0 : i32
    return %c0_i32, %c0_i32_0 : i32, i32
  }
  func.func @transform_12(%arg0: i32) -> (i32, i32) {
    %c0_i32 = arith.constant 0 : i32
    %c0_i32_0 = arith.constant 0 : i32
    %c0_i32_1 = arith.constant 0 : i32
    return %c0_i32, %c0_i32_0 : i32, i32
  }
  func.func @transform_13(%arg0: i32) -> (i32, i32) {
    %c0_i32 = arith.constant 0 : i32
    %c0_i32_0 = arith.constant 0 : i32
    %c0_i32_1 = arith.constant 0 : i32
    return %c0_i32, %c0_i32_0 : i32, i32
  }
  func.func @transform_14(%arg0: i32) -> (i32, i32) {
    %c0_i32 = arith.constant 0 : i32
    %c0_i32_0 = arith.constant 0 : i32
    %c0_i32_1 = arith.constant 0 : i32
    return %c0_i32, %c0_i32_0 : i32, i32
  }
  func.func @transform_15(%arg0: i32) -> (i32, i32) {
    %c0_i32 = arith.constant 0 : i32
    %c0_i32_0 = arith.constant 0 : i32
    return %arg0, %c0_i32 : i32, i32
  }
}

module attributes {stable_mosaic.version = 14 : i64} {
  func.func @_combine_body(%arg0: memref<2x10000x80xf32, #tpu.memory_space<vmem>>, %arg1: memref<10000x64xf32, #tpu.memory_space<vmem>>) attributes {dimension_semantics = [], scalar_prefetch = 0 : i64, scratch_operands = 0 : i64, tpu.core_type = #tpu.core_type<tc>} {
    %get3A = arith.constant 0 : index
    %get3A_0 = arith.constant 0 : index
    %get3A_1 = arith.constant 0 : index
    %get3A_2 = vector.load %arg0[%get3A, %get3A_0, %get3A_1] : memref<2x10000x80xf32, #tpu.memory_space<vmem>>, vector<1x10000x80xf32>
    %get3A_3 = vector.shape_cast %get3A_2 : vector<1x10000x80xf32> to vector<10000x80xf32>
    %get3A_4 = arith.constant 1 : index
    %get3A_5 = arith.constant 0 : index
    %get3A_6 = arith.constant 0 : index
    %get3A_7 = vector.load %arg0[%get3A_4, %get3A_5, %get3A_6] : memref<2x10000x80xf32, #tpu.memory_space<vmem>>, vector<1x10000x80xf32>
    %get3A_8 = vector.shape_cast %get3A_7 : vector<1x10000x80xf32> to vector<10000x80xf32>
    %add3A = arith.addf %get3A_3, %get3A_8 : vector<10000x80xf32>
    %slice3A = vector.extract_strided_slice %add3A {offsets = [0, 64], sizes = [10000, 1], strides = [1, 1]} : vector<10000x80xf32> to vector<10000x1xf32>
    %slice3A_9 = vector.extract_strided_slice %add3A {offsets = [0, 0], sizes = [10000, 64], strides = [1, 1]} : vector<10000x80xf32> to vector<10000x64xf32>
    %max3A = arith.constant 1.000000e+00 : f32
    %max3A_10 = vector.broadcast %max3A : f32 to vector<10000x1xf32>
    %max3A_11 = arith.maximumf %slice3A, %max3A_10 : vector<10000x1xf32>
    %div3A = vector.broadcast %max3A_11 : vector<10000x1xf32> to vector<10000x64xf32>
    %div3A_12 = arith.divf %slice3A_9, %div3A : vector<10000x64xf32>
    %swap3A = arith.constant 0 : index
    %swap3A_13 = arith.constant 0 : index
    %swap3A_14 = vector.load %arg1[%swap3A, %swap3A_13] : memref<10000x64xf32, #tpu.memory_space<vmem>>, vector<10000x64xf32>
    tpu.vector_store %arg1[%swap3A, %swap3A_13], %div3A_12 {strides = array<i32>} : memref<10000x64xf32, #tpu.memory_space<vmem>>, vector<10000x64xf32>,
    return
  }
}

</mosaic_0001>

<sc_bundles>
// kernel: kernel.10.cloned.1.call-start
scs
__scs_entry_jumppad:
0x0: {  	(pc) =	sbr.rel $0x88, $3  }
0x1: {  	(tag) =	ssettag $0x0;
	lr =	simm.s32 $0x1  }
0x2: {  	[smem:$0x3F91] =	sst lr;
	_ =	strace $0xD0000000  }
0x3: {  	_ = 	snop  }
0x4: {  	_ = 	snop  }
0x5: {  	_ = 	snop  }
0x6: {  	_ = 	snop  }
0x7: {  	_ = 	snop  }
__scs_overlays_trampoline_lowered:
0x8: {  	[smem:$0x3FA0] =	sst s0  }
0x9: {  	[smem:$0x3FA1] =	sst s1  }
0xa: {  	[smem:$0x3FA2] =	sst s2  }
0xb: {  	[smem:$0x3FA3] =	sst s3  }
0xc: {  	[smem:$0x3FA4] =	sst s4  }
0xd: {  	[smem:$0x3FA5] =	sst s5  }
0xe: {  	[smem:$0x3FA6] =	sst s6  }
0xf: {  	[smem:$0x3FA7] =	sst s7  }
0x10: {  	[smem:$0x3FA8] =	sst s8  }
0x11: {  	[smem:$0x3FA9] =	sst s9;
	s0 =	simm.s32 @!p0 $0x0  }
0x12: {  	s1 =	sld [smem:$0x3F8F];
	s0 =	simm.s32 @p0 $0x1  }
0x13: {  	[smem:$0x3FAA] =	sst s0;
	s0 =	simm.s32 @!p1 $0x0  }
0x14: {  	s2 =	sld [smem:$0x3F8E];
	s0 =	simm.s32 @p1 $0x1  }
0x15: {  	[smem:$0x3FAB] =	sst s0;
	s0 =	simm.s32 @!p2 $0x0  }
0x16: {  	s3 =	sld [smem:$0x3FDB];
	s0 =	simm.s32 @p2 $0x1  }
0x17: {  	s4 =	simm.s32 $0x1BF5;
	[smem:$0x3FAD] =	sst s0  }
0x18: {  	s0 =	sld [smem:$0x3F90];
	_ =	swait.ge [sflag:s4], $0x0  }
0x19: {  	s7 =	sld [smem:$0x3F91]  }
0x1a: {  	s8 =	sadd.s32 $0xFFFFE003, lr  }
0x1b: {  	s9 =	sadd.s32 $0xFFFFFEF7, lr;
	s5 =	simm.s32 $0xFFFFFFFF;
	p2 =	slt.u32 s8, $0xFFFFF086  }
0x1c: {  	p1 =	slt.u32 s9, $0xF7A;
	s5 =	simm.s32 @!p2 $0x0  }
0x1d: {  	s5 =	simm.s32 @p1 $0x1;
	p0 =	seq.s32 s7, s2  }
0x1e: {  	s7 =	smul.u32 @!p0 $0xF7A, s2;
	p2 =	seq.s32 @!p0 s5, $0x0  }
0x1f: {  	s9 =	smul.u32 $0xF7A, s1;
	s8 =	simm.s32 @!p0 $0x1BF5;
	p2 =	por !p2, p0  }
0x20: {  	[sflag:s8] =	ssyncset.s32 @!p0 $0xFFFFF086;
	s6 =	sadd.s32 @!p0 s3, s7;
	s7 =	simm.s32 @!p0 $0x108  }
0x21: {  	s3 =	sadd.s32 s3, s9;
	s6 =	sadd.s32 @!p0 $0x88, s6;
	s7 =	simm.s32 @p2 $0x1082  }
0x22: {  	[simem:s7], [sflag:s8] =	dma.local @!p0 [hbm:s6], $0xF7A  }
0x23: {  	s9 =	sor.u32 $0xD0000000, s2;
	s6 =	simm.s32 $0x108;
	_ =	swait.ge @!p0 [sflag:s8], $0x0  }
0x24: {  	s3 =	sadd.s32 $0x88, s3;
	s6 =	simm.s32 @!p1 $0x1082;
	[sflag:s4] =	ssyncset.s32 $0xFFFFF086  }
0x25: {  	[simem:s6], [sflag:s4] =	dma.local [hbm:s3], $0xF7A  }
0x26: {  	[smem:$0x3F91] =	sst s1;
	(tag) =	ssettag s2;
	_ =	strace s9  }
0x27: {  	s1 =	sld [smem:$0x3FA1]  }
0x28: {  	s2 =	sld [smem:$0x3FA2]  }
0x29: {  	s4 =	sld [smem:$0x3FA4]  }
0x2a: {  	p0 =	seq.s32 s5, $0x0;
	s5 =	sld [smem:$0x3FA5]  }
0x2b: {  	s6 =	sld [smem:$0x3FA6]  }
0x2c: {  	s7 =	sld [smem:$0x3FA7]  }
0x2d: {  	s3 =	simm.s32 $0x108;
	s8 =	sld [smem:$0x3FA8]  }
0x2e: {  	s3 =	simm.s32 @!p0 $0x1082;
	s9 =	sld [smem:$0x3FA9]  }
0x2f: {  	lr =	sadd.s32 s0, s3;
	s0 =	sld [smem:$0x3FA0]  }
0x30: {  	s3 =	sld [smem:$0x3FA3]  }
0x31: {  	[smem:$0x3FAC] =	sst s10  }
0x32: {  	s10 =	sld [smem:$0x3FAA];
	_ =	sdelay $0x3  }
0x33: {  	p0 =	seq.s32 s10, $0x1;
	s10 =	sld [smem:$0x3FAC];
	_ =	sdelay $0x3  }
0x34: {  	[smem:$0x3FAC] =	sst s10  }
0x35: {  	s10 =	sld [smem:$0x3FAB];
	_ =	sdelay $0x3  }
0x36: {  	p1 =	seq.s32 s10, $0x1;
	s10 =	sld [smem:$0x3FAC];
	_ =	sdelay $0x3  }
0x37: {  	[smem:$0x3FAC] =	sst s10  }
0x38: {  	s10 =	sld [smem:$0x3FAD]  }
0x39: {  	_ = 	snop;
	(pc) =	sbr.ind lr, $3  }
0x3a: {  	_ = 	snop  }
0x3b: {  	_ = 	snop  }
0x3c: {  	p2 =	seq.s32 s10, $0x1;
	s10 =	sld [smem:$0x3FAC]  }
0x3d: {  	_ =	shalt  }
0x3e: {  	_ =	shalt  }
0x3f: {  	_ =	shalt  }
0x40: {  	_ =	shalt  }
0x41: {  	_ =	shalt  }
0x42: {  	_ =	shalt  }
0x43: {  	_ =	shalt  }
0x44: {  	_ =	shalt  }
0x45: {  	_ =	shalt  }
0x46: {  	_ =	shalt  }
0x47: {  	_ =	shalt  }
0x48: {  	_ =	shalt  }
0x49: {  	_ =	shalt  }
0x4a: {  	_ =	shalt  }
0x4b: {  	_ =	shalt  }
0x4c: {  	_ =	shalt  }
0x4d: {  	_ =	shalt  }
0x4e: {  	_ =	shalt  }
0x4f: {  	_ =	shalt  }
0x50: {  	_ =	shalt  }
0x51: {  	_ =	shalt  }
0x52: {  	_ =	shalt  }
0x53: {  	_ =	shalt  }
0x54: {  	_ =	shalt  }
0x55: {  	_ =	shalt  }
0x56: {  	_ =	shalt  }
0x57: {  	_ =	shalt  }
0x58: {  	_ =	shalt  }
0x59: {  	_ =	shalt  }
0x5a: {  	_ =	shalt  }
0x5b: {  	_ =	shalt  }
0x5c: {  	_ =	shalt  }
0x5d: {  	_ =	shalt  }
0x5e: {  	_ =	shalt  }
0x5f: {  	_ =	shalt  }
0x60: {  	_ =	shalt  }
0x61: {  	_ =	shalt  }
0x62: {  	_ =	shalt  }
0x63: {  	_ =	shalt  }
0x64: {  	_ =	shalt  }
0x65: {  	_ =	shalt  }
0x66: {  	_ =	shalt  }
0x67: {  	_ =	shalt  }
0x68: {  	_ =	shalt  }
0x69: {  	_ =	shalt  }
0x6a: {  	_ =	shalt  }
0x6b: {  	_ =	shalt  }
0x6c: {  	_ =	shalt  }
0x6d: {  	_ =	shalt  }
0x6e: {  	_ =	shalt  }
0x6f: {  	_ =	shalt  }
0x70: {  	_ =	shalt  }
0x71: {  	_ =	shalt  }
0x72: {  	_ =	shalt  }
0x73: {  	_ =	shalt  }
0x74: {  	_ =	shalt  }
0x75: {  	_ =	shalt  }
0x76: {  	_ =	shalt  }
0x77: {  	_ =	shalt  }
0x78: {  	_ =	shalt  }
0x79: {  	_ =	shalt  }
0x7a: {  	_ =	shalt  }
0x7b: {  	_ =	shalt  }
0x7c: {  	_ =	shalt  }
0x7d: {  	_ =	shalt  }
0x7e: {  	_ =	shalt  }
0x7f: {  	_ =	shalt  }
0x80: {  	_ =	shalt  }
0x81: {  	_ =	shalt  }
0x82: {  	_ =	shalt  }
0x83: {  	_ =	shalt  }
0x84: {  	_ =	shalt  }
0x85: {  	_ =	shalt  }
0x86: {  	_ =	shalt  }
0x87: {  	_ =	shalt  }
.Lfunc_end0:
.L_simem_size_0:
called_computation.2_lowered:
.L_overlay_start_0:
0x88: {  	s2 =	sld [smem:$0x3FD9]  }
0x89: {  	s3 =	sld [smem:$0x3FFE];
	_ =	sdelay $0x1  }
0x8a: {  	s1 =	srdreg.scid  }
0x8b: {  	s0 =	sand.u32 $0x1, s1  }
0x8c: {  	s16 =	sshll.u32 s0, $0xA;
	s2 =	sadd.s32 s3, s2  }
0x8d: {  	s2 =	sadd.s32 s2, s16  }
0x8e: {  	[smem:$0x3FB8] =	sst s2  }
0x8f: {  	_ = 	snop  }
0x90: {  	(tm) =	ssettm $0x1  }
0x91: {  	s17 =	sld [smem:$0x3FFB];
	_ =	sdelay $0x3  }
0x92: {  	_ =	strace s17  }
0x93: {  	s2 =	sld [smem:$0x3FFC];
	_ =	sdelay $0x3  }
0x94: {  	_ =	strace s2  }
0x95: {  	s2 =	sld [smem:$0x3FFD];
	_ =	sdelay $0x3  }
0x96: {  	_ =	strace s2  }
0x97: {  	_ =	strace $0x8FFFFFFF  }
0x98: {  	s18 =	sld [smem:$0x3FDB];
	_ =	sdelay $0x1  }
0x99: {  	s19 =	simm.s32 $_scs_section_size  }
0x9a: {  	s4 =	simm.s32 $_size__tile_overlayer_lowered;
	s5 =	simm.s32 $_tile_overlayer_lowered  }
0x9b: {  	s22 =	simm.s32 $0x1BFF;
	s21 =	sshll.u32 s5, $0x1;
	s2 =	sadd.s32 s19, s18  }
0x9c: {  	s6 =	simm.s32 $0x0;
	s20 =	sshll.u32 s4, $0x1;
	s4 =	sadd.s32 s21, s2  }
0x9d: {  	[timem:s6], [sflag:s22] =	dma.local [hbm:s4], s20  }
0x9e: {  	_ =	swait.ge [sflag:s22], s20  }
0x9f: {  	s3 =	ssub.s32 $0x0, s20;
	[sflag:s22] =	ssyncset.done $0x0  }
0xa0: {  	[sflag:s22] =	ssyncadd.s32 s3;
	_ =	sdelay $0x1  }
0xa1: {  	s23 =	simm.s32 $0x1B8B  }
0xa2: {  	_ =	swait.ge [sflag:s23], $0x1  }
0xa3: {  	[sflag:s23] =	ssyncset.done $0x0  }
0xa4: {  	s25 =	simm.s32 $0x1B8E;
	s24 =	sld [smem:$0x3FFE];
	[sflag:s23] =	ssyncadd.s32 $0xFFFFFFFF  }
0xa5: {  	s26 =	simm.s32 $execute0_lowered;
	[smem:$0x3FD2] =	sst s25  }
0xa6: {  	s4 =	sshll.u32 s26, $0x1;
	_ =	strace $0x8000004C;
	[dreg:$0x1] =	wrdreg $0xFFFFFFFF  }
0xa7: {  	s28 =	simm.s32 $_size_execute0_lowered;
	s2 =	sadd.s32 s2, s4;
	[dreg:$0x0] =	wrdreg $0x0  }
0xa8: {  	s4 =	sshll.u32 s28, $0x1;
	[dreg:$0x2] =	wrdreg s2  }
0xa9: {  	[dreg:$0x3] =	wrdreg s4  }
0xaa: {  	[dreg:$0x4] =	wrdreg $0xC0  }
0xab: {  	_ =	task [dreg:s6], $0x5FFFF  }
0xac: {  	[dreg:$0x1] =	wrdreg $0xFFFFFFFF  }
0xad: {  	[dreg:$0x0] =	wrdreg $0x60  }
0xae: {  	[dreg:$0x2] =	wrdreg s24  }
0xaf: {  	[dreg:$0x3] =	wrdreg $0xA4100  }
0xb0: {  	[dreg:$0x4] =	wrdreg $0x9  }
0xb1: {  	_ =	task.clear_ibuf [dreg:s6], $0x5FFFF;
	_ =	strace $0x9000004C  }
0xb2: {  	s29 =	simm.s32 $0x9;
	_ =	strace $0x8000004E  }
0xb3: {  	_ =	swait.ge [sflag:s29], $0x1  }
0xb4: {  	[sflag:s29] =	ssyncadd.s32 $0xFFFFFFFF  }
0xb5: {  	_ =	strace $0x9000004E  }
0xb6: {  	_ =	sfence  }
0xb7: {  	s30 =	sld [smem:$0x0];
	_ =	sdelay $0x2  }
0xb8: {  	s31 =	sshll.u32 s1, $0xD;
	s1 =	sshrl.u32 s1, $0x2  }
0xb9: {  	s3 =	sand.u32 $0x4000, s31;
	s1 =	sadd.s32 s1, s30  }
0xba: {  	s0 =	sor.u32 s3, s0;
	s1 =	sshll.u32 s1, $0x11  }
0xbb: {  	s0 =	sor.u32 s1, s0  }
0xbc: {  	s0 =	sadd.s32 $0x8F2B, s0  }
0xbd: {  	[sflag:s0] =	ssyncadd.remote.s32 $0x1  }
0xbe: {  	_ =	sfence.sel $0xFFFF  }
0xbf: {  	[dreg:$0x0] =	wrdreg $0xFFFFFFFF;
	(pc) =	sbr.abs _section_cstart, $3  }
0xc0: {  	[dreg:$0x1] =	wrdreg $0xFFFFFFFF  }
0xc1: {  	_ =	task.clear_ibuf [dreg:s6], $0x2FFFF;
	_ =	strace $0x9FFFFFFF  }
0xc2: {  	(tm) =	ssettm $0x7FFFFFFF  }
0xc3: {  	_ =	shalt  }
tec
execute0_lowered:
.L_overlay_start_1:
0x0: {  	(tag) =	ssettag $0x1  }
0x1: {  	s0 =	stileid.u32;
	s6 =	rddreg [dreg:$0x0]  }
0x2: {  	s1 =	srdreg.scid;
	s2 =	rddreg [dreg:$0x1]  }
0x3: {  	s3 =	simm.s32 $0x0;
	s14 =	simm.s32 $0x2710;
	s15 =	simm.s32 $0x4010  }
0x4: {  	s16 =	simm.s32 $0x5910;
	s17 =	simm.s32 $0x7210;
	s5 =	smul.u32 $0x4E200, s0  }
0x5: {  	s18 =	simm.s32 $0x8B10;
	s19 =	simm.s32 $0x0;
	s8 =	smul.u32 $0xC350, s0  }
0x6: {  	s4 =	sand.u32 $0x1, s1;
	s25 =	sshll.u32 s0, $0x1;
	s9 =	smul.u32 $0x186A, s0  }
0x7: {  	[smem:$0x7FF] =	sst s3;
	s30 =	sshll.u32 s0, $0x6;
	s10 =	smul.u32 $0x186A0, s4  }
0x8: {  	s1 =	sor.u32 s4, s25;
	s28 =	ssub.s32 $0x2, s4;
	s12 =	smul.u32 $0x27100, s4  }
0x9: {  	s7 =	smul.u32 $0x2710, s1;
	s1 =	rddreg [dreg:$0x2];
	_ =	strace $0x8000004D  }
0xa: {  	s11 =	sadd.s32 s5, s6;
	s26 =	sshrl.u32 s8, $0x3;
	s29 =	sshrl.u32 s28, $0x1  }
0xb: {  	s13 =	sadd.s32 s8, s2;
	s9 =	sadd.s32 s9, s10;
	s5 =	sadd.s32 s26, s6  }
0xc: {  	s10 =	ssub.s32 s28, s29;
	s31 =	sadd.s32 s12, s11;
	s11 =	simm.s32 $0x1  }
0xd: {  	s12 =	simm.s32 $0x50;
	s7 =	sshrl.u32 s7, $0x3;
	s9 =	sadd.s32 s9, s6  }
0xe: {  	s4 =	sadd.s32 $0x2E00, s5;
	s5 =	sor.u32 $0x1C01, s30;
	s7 =	sadd.s32 s7, s6  }
0xf: {  	s8 =	smax.u32 s10, $0x1;
	s10 =	sshrl.u32 s13, $0x3;
	s6 =	sadd.s32 $0x421A00, s7  }
0x10: {  	s13 =	simm.s32 $0x80;
	s7 =	sadd.s32 $0x1B600, s9;
	s9 =	sadd.s32 $0xDF9600, s31  }
.LBB2_1:
0x11: {  	[spmem:s10], [sflag:s5] =	dma.local [hbm:s4], $0x186A  }
0x12: {  	_ =	swait.ge [sflag:s11], $0x186A  }
0x13: {  	[sflag:s11] =	ssyncset.done $0x0  }
0x14: {  	[sflag:s11] =	ssyncadd.s32 $0xFFFFE796  }
0x15: {  	[tilespmem:s3], [sflag:$0x1] =	stream.linear.gather [hbm4b:s6+s3], $0x2710, $0x38;
	[tilespmem:$0x16760] =	vst v63  }
0x16: {  	_ =	swait.ge [sflag:s11], $0x2710  }
0x17: {  	[sflag:s11] =	ssyncset.done $0x0  }
0x18: {  	[sflag:s11] =	ssyncadd.s32 $0xFFFFD8F0  }
0x19: {  	[bflag:$0x0] =	sbarrier.arrive $0xFFFF  }
0x1a: {  	[tilespmem:s14], [sflag:$0x1] =	stream.strided.gather [hbm4b:s9+s12], $0x7D00, s13, s12, $0x38;
	[tilespmem:$0x16760] =	vst v63  }
0x1b: {  	_ =	swait.ge [sflag:s11], $0x7D00  }
0x1c: {  	[sflag:s11] =	ssyncset.done $0x0  }
0x1d: {  	s20 =	simm.s32 $0x0;
	[sflag:s11] =	ssyncadd.s32 $0xFFFF8300  }
0x1e: {  	[spmem:s2] =	stream.indirect.scatter.add.f32 [tilespmem:s14], [sflag:$0x1], $0x50, s20, s12, $0xb8;
	[tilespmem:$0x16760] =	vst v63  }
0x1f: {  	_ =	swait.ge [sflag:s11], $0x1900  }
0x20: {  	[sflag:s11] =	ssyncset.done $0x0  }
0x21: {  	s28 =	simm.s32 $0x50;
	[sflag:s11] =	ssyncadd.s32 $0xFFFFE700  }
0x22: {  	[spmem:s2] =	stream.indirect.scatter.add.f32 [tilespmem:s15], [sflag:$0x1], $0x50, s28, s12, $0xb8;
	[tilespmem:$0x16760] =	vst v63  }
0x23: {  	_ =	swait.ge [sflag:s11], $0x1900  }
0x24: {  	[sflag:s11] =	ssyncset.done $0x0  }
0x25: {  	s29 =	simm.s32 $0xA0;
	[sflag:s11] =	ssyncadd.s32 $0xFFFFE700  }
0x26: {  	[spmem:s2] =	stream.indirect.scatter.add.f32 [tilespmem:s16], [sflag:$0x1], $0x50, s29, s12, $0xb8;
	[tilespmem:$0x16760] =	vst v63  }
0x27: {  	_ =	swait.ge [sflag:s11], $0x1900  }
0x28: {  	[sflag:s11] =	ssyncset.done $0x0  }
0x29: {  	s30 =	simm.s32 $0xF0;
	[sflag:s11] =	ssyncadd.s32 $0xFFFFE700  }
0x2a: {  	[spmem:s2] =	stream.indirect.scatter.add.f32 [tilespmem:s17], [sflag:$0x1], $0x50, s30, s12, $0xb8;
	[tilespmem:$0x16760] =	vst v63  }
0x2b: {  	_ =	swait.ge [sflag:s11], $0x1900  }
0x2c: {  	[sflag:s11] =	ssyncset.done $0x0  }
0x2d: {  	s31 =	simm.s32 $0x140;
	[sflag:s11] =	ssyncadd.s32 $0xFFFFE700  }
0x2e: {  	[spmem:s2] =	stream.indirect.scatter.add.f32 [tilespmem:s18], [sflag:$0x1], $0x50, s31, s12, $0xb8;
	[tilespmem:$0x16760] =	vst v63  }
0x2f: {  	_ =	swait.ge [sflag:s11], $0x1900  }
0x30: {  	s21 =	smov.u32 s9;
	s20 =	simm.s32 $0x640;
	[sflag:s11] =	ssyncset.done $0x0  }
.LBB2_2:
0x31: {  	p0 =	sne.s32 s20, $0x9600;
	[sflag:s11] =	ssyncadd.s32 $0xFFFFE700;
	s21 =	sadd.s32 $0x1900, s21  }
0x32: {  	[tilespmem:s14], [sflag:$0x1] =	stream.strided.gather [hbm4b:s21+s12], $0x7D00, s13, s12, $0x38;
	[tilespmem:$0x16760] =	vst v63  }
0x33: {  	s22 =	smov.u32 s20;
	s20 =	sadd.s32 $0x640, s20;
	_ =	swait.ge [sflag:s11], $0x7D00  }
0x34: {  	[sflag:s11] =	ssyncset.done $0x0  }
0x35: {  	s22 =	sshra.s32 s22, $0x2;
	[sflag:s11] =	ssyncadd.s32 $0xFFFF8300  }
0x36: {  	[spmem:s2] =	stream.indirect.scatter.add.f32 [tilespmem:s14], [sflag:$0x1], $0x50, s22, s12, $0xb8;
	[tilespmem:$0x16760] =	vst v63  }
0x37: {  	_ =	swait.ge [sflag:s11], $0x1900  }
0x38: {  	[sflag:s11] =	ssyncset.done $0x0  }
0x39: {  	s23 =	sadd.s32 $0x50, s22;
	[sflag:s11] =	ssyncadd.s32 $0xFFFFE700  }
0x3a: {  	[spmem:s2] =	stream.indirect.scatter.add.f32 [tilespmem:s15], [sflag:$0x1], $0x50, s23, s12, $0xb8;
	[tilespmem:$0x16760] =	vst v63  }
0x3b: {  	_ =	swait.ge [sflag:s11], $0x1900  }
0x3c: {  	[sflag:s11] =	ssyncset.done $0x0  }
0x3d: {  	s23 =	sadd.s32 $0xA0, s22;
	[sflag:s11] =	ssyncadd.s32 $0xFFFFE700  }
0x3e: {  	[spmem:s2] =	stream.indirect.scatter.add.f32 [tilespmem:s16], [sflag:$0x1], $0x50, s23, s12, $0xb8;
	[tilespmem:$0x16760] =	vst v63  }
0x3f: {  	_ =	swait.ge [sflag:s11], $0x1900  }
0x40: {  	[sflag:s11] =	ssyncset.done $0x0  }
0x41: {  	s23 =	sadd.s32 $0xF0, s22;
	[sflag:s11] =	ssyncadd.s32 $0xFFFFE700  }
0x42: {  	[spmem:s2] =	stream.indirect.scatter.add.f32 [tilespmem:s17], [sflag:$0x1], $0x50, s23, s12, $0xb8;
	[tilespmem:$0x16760] =	vst v63  }
0x43: {  	_ =	swait.ge [sflag:s11], $0x1900  }
.Ltmp0:
0x44: {  	[sflag:s11] =	ssyncset.done $0x0;
	(pc) =	sbr.rel @p0 .LBB2_2-.Ltmp0, $4  }
0x45: {  	s22 =	sadd.s32 $0x140, s22;
	[sflag:s11] =	ssyncadd.s32 $0xFFFFE700  }
0x46: {  	[spmem:s2] =	stream.indirect.scatter.add.f32 [tilespmem:s18], [sflag:$0x1], $0x50, s22, s12, $0xb8;
	[tilespmem:$0x16760] =	vst v63  }
0x47: {  	_ =	swait.ge [sflag:s11], $0x1900  }
0x48: {  	[sflag:s11] =	ssyncset.done $0x0  }
0x49: {  	s19 =	sadd.s32 $0x1, s19  }
0x4a: {  	[sflag:s11] =	ssyncadd.s32 $0xFFFFE700;
	p0 =	sne.s32 s19, s8  }
.Ltmp1:
0x4b: {  	[bflag:$0x0] =	sbarrier.arrive $0xFFFF;
	(pc) =	sbr.rel @p0 .LBB2_1-.Ltmp1, $4  }
0x4c: {  	[hbm:s7], [sflag:s5] =	dma.local [spmem:s10], $0x186A  }
0x4d: {  	_ =	swait.ge [sflag:s11], $0x186A  }
0x4e: {  	[sflag:s11] =	ssyncset.done $0x0  }
0x4f: {  	[sflag:s11] =	ssyncadd.s32 $0xFFFFE796  }
0x50: {  	_ =	sfence.sel $0x180000  }
0x51: {  	[bflag:$0x0] =	sbarrier.arrive $0xFFFF  }
0x52: {  	p0 =	sne.s32 s0, $0x0;
	_ =	strace $0x9000004D  }
0x53: {  	s0 =	sadd.s32 @!p0 $0x100000, s1;
	[bflag:$0x2] =	sbarrier.arrive $0xFFFF  }
0x54: {  	[sflag:s0] =	ssyncadd.tile.s32 @!p0 $0x1;
	_ =	shalt  }
.Lfunc_end2:
_tile_overlayer_lowered:
.L_overlay_start_2:
0x55: {  	(tag) =	ssettag $0x2  }
0x56: {  	s0 =	rddreg [dreg:$0x0];
	s2 =	stileid.u32  }
0x57: {  	s1 =	rddreg [dreg:$0x1];
	p0 =	sne.s32 s2, $0x0  }
0x58: {  	s3 =	rddreg [dreg:$0x2];
	[bflag:$0x3] =	sbarrier.arrive $0xFFFF;
	s2 =	simm.s32 @!p0 $0x1C01  }
0x59: {  	[timem:s3], [sflag:s2] =	dma.local @!p0 [hbm:s0], s1  }
0x5a: {  	s0 =	simm.s32 @!p0 $0x1  }
0x5b: {  	_ =	swait.ge @!p0 [sflag:s0], s1  }
0x5c: {  	s1 =	ssub.s32 @!p0 $0x0, s1;
	[sflag:s0] =	ssyncset.done @!p0 $0x0  }
0x5d: {  	[sflag:s0] =	ssyncadd.s32 @!p0 s1  }
0x5e: {  	[bflag:$0x3] =	sbarrier.arrive $0xFFFF  }
0x5f: {  	_ =	shalt  }

// kernel: kernel.7.cloned.1.call-start
scs
__scs_entry_jumppad:
0x0: {  	(pc) =	sbr.rel $0x88, $3  }
0x1: {  	(tag) =	ssettag $0x0;
	lr =	simm.s32 $0x1  }
0x2: {  	[smem:$0x3F91] =	sst lr;
	_ =	strace $0xD0000000  }
0x3: {  	_ = 	snop  }
0x4: {  	_ = 	snop  }
0x5: {  	_ = 	snop  }
0x6: {  	_ = 	snop  }
0x7: {  	_ = 	snop  }
__scs_overlays_trampoline_lowered:
0x8: {  	[smem:$0x3FA0] =	sst s0  }
0x9: {  	[smem:$0x3FA1] =	sst s1  }
0xa: {  	[smem:$0x3FA2] =	sst s2  }
0xb: {  	[smem:$0x3FA3] =	sst s3  }
0xc: {  	[smem:$0x3FA4] =	sst s4  }
0xd: {  	[smem:$0x3FA5] =	sst s5  }
0xe: {  	[smem:$0x3FA6] =	sst s6  }
0xf: {  	[smem:$0x3FA7] =	sst s7  }
0x10: {  	[smem:$0x3FA8] =	sst s8  }
0x11: {  	[smem:$0x3FA9] =	sst s9;
	s0 =	simm.s32 @!p0 $0x0  }
0x12: {  	s1 =	sld [smem:$0x3F8F];
	s0 =	simm.s32 @p0 $0x1  }
0x13: {  	[smem:$0x3FAA] =	sst s0;
	s0 =	simm.s32 @!p1 $0x0  }
0x14: {  	s2 =	sld [smem:$0x3F8E];
	s0 =	simm.s32 @p1 $0x1  }
0x15: {  	[smem:$0x3FAB] =	sst s0;
	s0 =	simm.s32 @!p2 $0x0  }
0x16: {  	s3 =	sld [smem:$0x3FDB];
	s0 =	simm.s32 @p2 $0x1  }
0x17: {  	s4 =	simm.s32 $0x1BF5;
	[smem:$0x3FAD] =	sst s0  }
0x18: {  	s0 =	sld [smem:$0x3F90];
	_ =	swait.ge [sflag:s4], $0x0  }
0x19: {  	s7 =	sld [smem:$0x3F91]  }
0x1a: {  	s8 =	sadd.s32 $0xFFFFE003, lr  }
0x1b: {  	s9 =	sadd.s32 $0xFFFFFEF7, lr;
	s5 =	simm.s32 $0xFFFFFFFF;
	p2 =	slt.u32 s8, $0xFFFFF086  }
0x1c: {  	p1 =	slt.u32 s9, $0xF7A;
	s5 =	simm.s32 @!p2 $0x0  }
0x1d: {  	s5 =	simm.s32 @p1 $0x1;
	p0 =	seq.s32 s7, s2  }
0x1e: {  	s7 =	smul.u32 @!p0 $0xF7A, s2;
	p2 =	seq.s32 @!p0 s5, $0x0  }
0x1f: {  	s9 =	smul.u32 $0xF7A, s1;
	s8 =	simm.s32 @!p0 $0x1BF5;
	p2 =	por !p2, p0  }
0x20: {  	[sflag:s8] =	ssyncset.s32 @!p0 $0xFFFFF086;
	s6 =	sadd.s32 @!p0 s3, s7;
	s7 =	simm.s32 @!p0 $0x108  }
0x21: {  	s3 =	sadd.s32 s3, s9;
	s6 =	sadd.s32 @!p0 $0x88, s6;
	s7 =	simm.s32 @p2 $0x1082  }
0x22: {  	[simem:s7], [sflag:s8] =	dma.local @!p0 [hbm:s6], $0xF7A  }
0x23: {  	s9 =	sor.u32 $0xD0000000, s2;
	s6 =	simm.s32 $0x108;
	_ =	swait.ge @!p0 [sflag:s8], $0x0  }
0x24: {  	s3 =	sadd.s32 $0x88, s3;
	s6 =	simm.s32 @!p1 $0x1082;
	[sflag:s4] =	ssyncset.s32 $0xFFFFF086  }
0x25: {  	[simem:s6], [sflag:s4] =	dma.local [hbm:s3], $0xF7A  }
0x26: {  	[smem:$0x3F91] =	sst s1;
	(tag) =	ssettag s2;
	_ =	strace s9  }
0x27: {  	s1 =	sld [smem:$0x3FA1]  }
0x28: {  	s2 =	sld [smem:$0x3FA2]  }
0x29: {  	s4 =	sld [smem:$0x3FA4]  }
0x2a: {  	p0 =	seq.s32 s5, $0x0;
	s5 =	sld [smem:$0x3FA5]  }
0x2b: {  	s6 =	sld [smem:$0x3FA6]  }
0x2c: {  	s7 =	sld [smem:$0x3FA7]  }
0x2d: {  	s3 =	simm.s32 $0x108;
	s8 =	sld [smem:$0x3FA8]  }
0x2e: {  	s3 =	simm.s32 @!p0 $0x1082;
	s9 =	sld [smem:$0x3FA9]  }
0x2f: {  	lr =	sadd.s32 s0, s3;
	s0 =	sld [smem:$0x3FA0]  }
0x30: {  	s3 =	sld [smem:$0x3FA3]  }
0x31: {  	[smem:$0x3FAC] =	sst s10  }
0x32: {  	s10 =	sld [smem:$0x3FAA];
	_ =	sdelay $0x3  }
0x33: {  	p0 =	seq.s32 s10, $0x1;
	s10 =	sld [smem:$0x3FAC];
	_ =	sdelay $0x3  }
0x34: {  	[smem:$0x3FAC] =	sst s10  }
0x35: {  	s10 =	sld [smem:$0x3FAB];
	_ =	sdelay $0x3  }
0x36: {  	p1 =	seq.s32 s10, $0x1;
	s10 =	sld [smem:$0x3FAC];
	_ =	sdelay $0x3  }
0x37: {  	[smem:$0x3FAC] =	sst s10  }
0x38: {  	s10 =	sld [smem:$0x3FAD]  }
0x39: {  	_ = 	snop;
	(pc) =	sbr.ind lr, $3  }
0x3a: {  	_ = 	snop  }
0x3b: {  	_ = 	snop  }
0x3c: {  	p2 =	seq.s32 s10, $0x1;
	s10 =	sld [smem:$0x3FAC]  }
0x3d: {  	_ =	shalt  }
0x3e: {  	_ =	shalt  }
0x3f: {  	_ =	shalt  }
0x40: {  	_ =	shalt  }
0x41: {  	_ =	shalt  }
0x42: {  	_ =	shalt  }
0x43: {  	_ =	shalt  }
0x44: {  	_ =	shalt  }
0x45: {  	_ =	shalt  }
0x46: {  	_ =	shalt  }
0x47: {  	_ =	shalt  }
0x48: {  	_ =	shalt  }
0x49: {  	_ =	shalt  }
0x4a: {  	_ =	shalt  }
0x4b: {  	_ =	shalt  }
0x4c: {  	_ =	shalt  }
0x4d: {  	_ =	shalt  }
0x4e: {  	_ =	shalt  }
0x4f: {  	_ =	shalt  }
0x50: {  	_ =	shalt  }
0x51: {  	_ =	shalt  }
0x52: {  	_ =	shalt  }
0x53: {  	_ =	shalt  }
0x54: {  	_ =	shalt  }
0x55: {  	_ =	shalt  }
0x56: {  	_ =	shalt  }
0x57: {  	_ =	shalt  }
0x58: {  	_ =	shalt  }
0x59: {  	_ =	shalt  }
0x5a: {  	_ =	shalt  }
0x5b: {  	_ =	shalt  }
0x5c: {  	_ =	shalt  }
0x5d: {  	_ =	shalt  }
0x5e: {  	_ =	shalt  }
0x5f: {  	_ =	shalt  }
0x60: {  	_ =	shalt  }
0x61: {  	_ =	shalt  }
0x62: {  	_ =	shalt  }
0x63: {  	_ =	shalt  }
0x64: {  	_ =	shalt  }
0x65: {  	_ =	shalt  }
0x66: {  	_ =	shalt  }
0x67: {  	_ =	shalt  }
0x68: {  	_ =	shalt  }
0x69: {  	_ =	shalt  }
0x6a: {  	_ =	shalt  }
0x6b: {  	_ =	shalt  }
0x6c: {  	_ =	shalt  }
0x6d: {  	_ =	shalt  }
0x6e: {  	_ =	shalt  }
0x6f: {  	_ =	shalt  }
0x70: {  	_ =	shalt  }
0x71: {  	_ =	shalt  }
0x72: {  	_ =	shalt  }
0x73: {  	_ =	shalt  }
0x74: {  	_ =	shalt  }
0x75: {  	_ =	shalt  }
0x76: {  	_ =	shalt  }
0x77: {  	_ =	shalt  }
0x78: {  	_ =	shalt  }
0x79: {  	_ =	shalt  }
0x7a: {  	_ =	shalt  }
0x7b: {  	_ =	shalt  }
0x7c: {  	_ =	shalt  }
0x7d: {  	_ =	shalt  }
0x7e: {  	_ =	shalt  }
0x7f: {  	_ =	shalt  }
0x80: {  	_ =	shalt  }
0x81: {  	_ =	shalt  }
0x82: {  	_ =	shalt  }
0x83: {  	_ =	shalt  }
0x84: {  	_ =	shalt  }
0x85: {  	_ =	shalt  }
0x86: {  	_ =	shalt  }
0x87: {  	_ =	shalt  }
.Lfunc_end0:
.L_simem_size_0:
called_computation.1_lowered:
.L_overlay_start_0:
0x88: {  	s2 =	sld [smem:$0x3FD9]  }
0x89: {  	s3 =	sld [smem:$0x3FFE];
	_ =	sdelay $0x1  }
0x8a: {  	s1 =	srdreg.scid  }
0x8b: {  	s0 =	sand.u32 $0x1, s1  }
0x8c: {  	s17 =	sshll.u32 s0, $0xA;
	s2 =	sadd.s32 s3, s2  }
0x8d: {  	s2 =	sadd.s32 s2, s17  }
0x8e: {  	[smem:$0x3FB8] =	sst s2  }
0x8f: {  	_ = 	snop  }
0x90: {  	s18 =	sld [smem:$0x3FD0];
	(tm) =	ssettm $0x1  }
0x91: {  	s19 =	sld [smem:$0x3FFB];
	_ =	sdelay $0x3  }
0x92: {  	_ =	strace s19  }
0x93: {  	s2 =	sld [smem:$0x3FFC];
	_ =	sdelay $0x3  }
0x94: {  	_ =	strace s2  }
0x95: {  	s2 =	sld [smem:$0x3FFD];
	_ =	sdelay $0x3  }
0x96: {  	_ =	strace s2  }
0x97: {  	_ =	strace $0x8FFFFFFF  }
0x98: {  	s20 =	sld [smem:$0x3FDB];
	_ =	sdelay $0x1  }
0x99: {  	s4 =	simm.s32 $_scs_section_size  }
0x9a: {  	s5 =	simm.s32 $_size__tile_overlayer_lowered;
	s6 =	simm.s32 $_tile_overlayer_lowered  }
0x9b: {  	s7 =	simm.s32 $0x1BFF;
	s21 =	sshll.u32 s6, $0x1;
	s4 =	sadd.s32 s4, s20  }
0x9c: {  	s22 =	simm.s32 $0x0;
	s5 =	sshll.u32 s5, $0x1;
	s6 =	sadd.s32 s21, s4  }
0x9d: {  	[timem:s22], [sflag:s7] =	dma.local [hbm:s6], s5  }
0x9e: {  	_ =	swait.ge [sflag:s7], s5  }
0x9f: {  	s5 =	ssub.s32 $0x0, s5;
	[sflag:s7] =	ssyncset.done $0x0  }
0xa0: {  	[sflag:s7] =	ssyncadd.s32 s5;
	_ =	sdelay $0x1  }
0xa1: {  	s23 =	simm.s32 $0x1B8B  }
0xa2: {  	_ =	swait.ge [sflag:s23], $0x1  }
0xa3: {  	[sflag:s23] =	ssyncset.done $0x0  }
0xa4: {  	[sflag:s23] =	ssyncadd.s32 $0xFFFFFFFF  }
0xa5: {  	s5 =	sld [smem:$0x0]  }
0xa6: {  	s6 =	sand.u32 $0xFFFFFFFE, s1  }
0xa7: {  	p0 =	sne.s32 s1, s6  }
0xa8: {  	s6 =	sshll.u32 @p0 s6, $0xE  }
0xa9: {  	s6 =	sadd.s32 @p0 $0x11B8D, s6;
	s7 =	sshll.u32 @p0 s5, $0x11  }
0xaa: {  	s6 =	sor.u32 @p0 s7, s6  }
0xab: {  	[sflag:s6] =	ssyncadd.remote.s32 @p0 $0x1;
	_ =	sdelay $0x1  }
0xac: {  	s6 =	simm.s32 @p0 $0x1B8D  }
0xad: {  	_ =	swait.eq @p0 [sflag:s6], $0x1  }
0xae: {  	[sflag:s6] =	ssyncadd.s32 @p0 $0xFFFFFFFF  }
0xaf: {  	s7 =	sshll.u32 @!p0 s1, $0xE  }
0xb0: {  	s7 =	sor.u32 @!p0 $0x4000, s7;
	s6 =	simm.s32 @!p0 $0x1B8D  }
0xb1: {  	s5 =	sshll.u32 @!p0 s5, $0x11;
	s7 =	sadd.s32 @!p0 $0x11B8D, s7;
	_ =	swait.eq @!p0 [sflag:s6], $0x1  }
0xb2: {  	s5 =	sor.u32 @!p0 s5, s7;
	[sflag:s6] =	ssyncadd.s32 @!p0 $0xFFFFFFFF  }
0xb3: {  	s25 =	simm.s32 $0x1B8E;
	s24 =	sld [smem:$0x3FFE];
	[sflag:s5] =	ssyncadd.remote.s32 @!p0 $0x1  }
0xb4: {  	s26 =	simm.s32 $execute0_lowered;
	[smem:$0x3FD2] =	sst s25  }
0xb5: {  	s6 =	sshll.u32 s26, $0x1;
	_ =	strace $0x80000049;
	[dreg:$0x1] =	wrdreg $0xFFFFFFFF  }
0xb6: {  	s28 =	simm.s32 $_size_execute0_lowered;
	s4 =	sadd.s32 s4, s6;
	[dreg:$0x0] =	wrdreg $0x0  }
0xb7: {  	s6 =	sshll.u32 s28, $0x1;
	[dreg:$0x2] =	wrdreg s4  }
0xb8: {  	[dreg:$0x3] =	wrdreg s6  }
0xb9: {  	[dreg:$0x4] =	wrdreg $0xC0  }
0xba: {  	_ =	task [dreg:s22], $0x5FFFF  }
0xbb: {  	[dreg:$0x1] =	wrdreg $0xFFFFFFFF  }
0xbc: {  	[dreg:$0x0] =	wrdreg $0x60  }
0xbd: {  	[dreg:$0x2] =	wrdreg s24  }
0xbe: {  	[dreg:$0x3] =	wrdreg s18  }
0xbf: {  	[dreg:$0x4] =	wrdreg $0xA  }
0xc0: {  	_ =	task.clear_ibuf [dreg:s22], $0x5FFFF;
	_ =	strace $0x90000049  }
0xc1: {  	s29 =	simm.s32 $0xA;
	_ =	strace $0x8000004B  }
0xc2: {  	_ =	swait.ge [sflag:s29], $0x1  }
0xc3: {  	[sflag:s29] =	ssyncadd.s32 $0xFFFFFFFF  }
0xc4: {  	_ =	strace $0x9000004B  }
0xc5: {  	_ =	sfence  }
0xc6: {  	s30 =	sld [smem:$0x0];
	_ =	sdelay $0x2  }
0xc7: {  	s31 =	sshll.u32 s1, $0xD;
	s1 =	sshrl.u32 s1, $0x2  }
0xc8: {  	s4 =	sand.u32 $0x4000, s31;
	s1 =	sadd.s32 s1, s30  }
0xc9: {  	s0 =	sor.u32 s4, s0;
	s1 =	sshll.u32 s1, $0x11  }
0xca: {  	s0 =	sor.u32 s1, s0  }
0xcb: {  	s0 =	sadd.s32 $0x8F2B, s0  }
0xcc: {  	[sflag:s0] =	ssyncadd.remote.s32 $0x1  }
0xcd: {  	_ =	sfence.sel $0xFFFF  }
0xce: {  	[dreg:$0x0] =	wrdreg $0xFFFFFFFF;
	(pc) =	sbr.abs _section_cstart, $3  }
0xcf: {  	[dreg:$0x1] =	wrdreg $0xFFFFFFFF  }
0xd0: {  	_ =	task.clear_ibuf [dreg:s22], $0x2FFFF;
	_ =	strace $0x9FFFFFFF  }
0xd1: {  	(tm) =	ssettm $0x7FFFFFFF  }
tec
execute0_lowered:
.L_overlay_start_1:
0x0: {  	(tag) =	ssettag $0x1  }
0x1: {  	s4 =	rddreg [dreg:$0x0]  }
0x2: {  	s5 =	rddreg [dreg:$0x1]  }
0x3: {  	s0 =	rddreg [dreg:$0x2]  }
0x4: {  	s3 =	srdreg.scid;
	s1 =	stileid.u32  }
0x5: {  	s2 =	simm.s32 $0x0;
	s11 =	simm.s32 $0x4E20;
	s12 =	simm.s32 $0xB220  }
0x6: {  	s13 =	simm.s32 $0x6220;
	s14 =	simm.s32 $0xC620;
	s15 =	simm.s32 $0x7620  }
0x7: {  	s16 =	simm.s32 $0xDA20;
	s17 =	simm.s32 $0x8A20;
	s18 =	simm.s32 $0xEE20  }
0x8: {  	s19 =	simm.s32 $0x9E20;
	s20 =	simm.s32 $0x10220;
	s21 =	simm.s32 $0x1  }
0x9: {  	s22 =	simm.s32 $0x2;
	s23 =	simm.s32 $0x40;
	s24 =	simm.s32 $0x80  }
0xa: {  	s25 =	simm.s32 $0x0;
	s6 =	sand.u32 $0x1, s3;
	s29 =	sshll.u32 s1, $0x1  }
0xb: {  	[smem:$0x7FF] =	sst s2;
	s8 =	smul.u32 $0x4E200, s1;
	s3 =	sor.u32 s6, s29  }
0xc: {  	_ =	strace $0x8000004A;
	s9 =	ssub.s32 $0x2, s6;
	s6 =	smul.u32 $0x27100, s6  }
0xd: {  	s7 =	smul.u32 $0x2710, s3;
	s8 =	sadd.s32 s8, s4;
	s30 =	sshrl.u32 s9, $0x1  }
0xe: {  	s3 =	sadd.s32 $0x3FA800, s4;
	s9 =	ssub.s32 s9, s30;
	s31 =	sadd.s32 s6, s8  }
0xf: {  	s8 =	simm.s32 $0x3;
	s7 =	sshrl.u32 s7, $0x3;
	s6 =	smax.u32 s9, $0x1  }
0x10: {  	s10 =	sadd.s32 s7, s4;
	s4 =	sadd.s32 s5, s7;
	s7 =	sadd.s32 $0x435608, s31  }
0x11: {  	s9 =	simm.s32 $0x2710;
	s5 =	sadd.s32 $0x42B800, s10;
	s10 =	simm.s32 $0x50  }
.LBB2_1:
0x12: {  	[tilespmem:s2], [sflag:$0x3] =	stream.linear.gather [hbm4b:s4+s2], $0x2710, $0x38;
	[tilespmem:$0x11620] =	vst v63  }
0x13: {  	_ =	swait.ge [sflag:s8], $0x2710  }
0x14: {  	[sflag:s8] =	ssyncset.done $0x0  }
0x15: {  	[sflag:s8] =	ssyncadd.s32 $0xFFFFD8F0  }
0x16: {  	[tilespmem:s9], [sflag:$0x3] =	stream.linear.gather [hbm4b:s5+s2], $0x2710, $0x38;
	[tilespmem:$0x11620] =	vst v63  }
0x17: {  	_ =	swait.ge [sflag:s8], $0x2710  }
0x18: {  	[sflag:s8] =	ssyncset.done $0x0  }
0x19: {  	s26 =	simm.s32 $0x0;
	[sflag:s8] =	ssyncadd.s32 $0xFFFFD8F0  }
0x1a: {  	[tilespmem:s11], [sflag:$0x1] =	stream.indirect.gather [hbm4b:s3+s10], $0x40, s26, s10, $0xb8;
	[tilespmem:$0x11620] =	vst v63  }
0x1b: {  	s29 =	simm.s32 $0x2710  }
0x1c: {  	[tilespmem:s12], [sflag:$0x2] =	stream.indirect.gather [hbm4b:s3+s10], $0x40, s29, s10, $0xb8;
	[tilespmem:$0x11620] =	vst v63  }
0x1d: {  	s31 =	simm.s32 $0x50  }
0x1e: {  	[tilespmem:s13], [sflag:$0x1] =	stream.indirect.gather [hbm4b:s3+s10], $0x40, s31, s10, $0xb8;
	[tilespmem:$0x11620] =	vst v63  }
0x1f: {  	s29 =	simm.s32 $0x2760  }
0x20: {  	[tilespmem:s14], [sflag:$0x2] =	stream.indirect.gather [hbm4b:s3+s10], $0x40, s29, s10, $0xb8;
	[tilespmem:$0x11620] =	vst v63  }
0x21: {  	s31 =	simm.s32 $0xA0  }
0x22: {  	[tilespmem:s15], [sflag:$0x1] =	stream.indirect.gather [hbm4b:s3+s10], $0x40, s31, s10, $0xb8;
	[tilespmem:$0x11620] =	vst v63  }
0x23: {  	s29 =	simm.s32 $0x27B0  }
0x24: {  	[tilespmem:s16], [sflag:$0x2] =	stream.indirect.gather [hbm4b:s3+s10], $0x40, s29, s10, $0xb8;
	[tilespmem:$0x11620] =	vst v63  }
0x25: {  	s31 =	simm.s32 $0xF0  }
0x26: {  	[tilespmem:s17], [sflag:$0x1] =	stream.indirect.gather [hbm4b:s3+s10], $0x40, s31, s10, $0xb8;
	[tilespmem:$0x11620] =	vst v63  }
0x27: {  	s29 =	simm.s32 $0x2800  }
0x28: {  	[tilespmem:s18], [sflag:$0x2] =	stream.indirect.gather [hbm4b:s3+s10], $0x40, s29, s10, $0xb8;
	[tilespmem:$0x11620] =	vst v63  }
0x29: {  	s31 =	simm.s32 $0x140  }
0x2a: {  	[tilespmem:s19], [sflag:$0x1] =	stream.indirect.gather [hbm4b:s3+s10], $0x40, s31, s10, $0xb8;
	[tilespmem:$0x11620] =	vst v63  }
0x2b: {  	s29 =	simm.s32 $0x2850  }
0x2c: {  	[tilespmem:s20], [sflag:$0x2] =	stream.indirect.gather [hbm4b:s3+s10], $0x40, s29, s10, $0xb8;
	[tilespmem:$0x11620] =	vst v63  }
0x2d: {  	_ =	swait.ge [sflag:s21], $0x1400  }
0x2e: {  	[sflag:s21] =	ssyncset.done $0x0  }
0x2f: {  	[sflag:s21] =	ssyncadd.s32 $0xFFFFEC00  }
0x30: {  	_ =	swait.ge [sflag:s22], $0x1400  }
0x31: {  	[sflag:s22] =	ssyncset.done $0x0  }
0x32: {  	[sflag:s22] =	ssyncadd.s32 $0xFFFFEC00  }
0x33: {  	_ =	swait.ge [sflag:s21], $0x1400  }
0x34: {  	[sflag:s21] =	ssyncset.done $0x0  }
0x35: {  	[sflag:s21] =	ssyncadd.s32 $0xFFFFEC00  }
0x36: {  	_ =	swait.ge [sflag:s22], $0x1400  }
0x37: {  	[sflag:s22] =	ssyncset.done $0x0  }
0x38: {  	[sflag:s22] =	ssyncadd.s32 $0xFFFFEC00  }
0x39: {  	_ =	swait.ge [sflag:s21], $0x1400  }
0x3a: {  	[sflag:s21] =	ssyncset.done $0x0  }
0x3b: {  	[sflag:s21] =	ssyncadd.s32 $0xFFFFEC00  }
0x3c: {  	_ =	swait.ge [sflag:s22], $0x1400  }
0x3d: {  	[sflag:s22] =	ssyncset.done $0x0  }
0x3e: {  	[sflag:s22] =	ssyncadd.s32 $0xFFFFEC00  }
0x3f: {  	_ =	swait.ge [sflag:s21], $0x1400  }
0x40: {  	[sflag:s21] =	ssyncset.done $0x0  }
0x41: {  	[sflag:s21] =	ssyncadd.s32 $0xFFFFEC00  }
0x42: {  	_ =	swait.ge [sflag:s22], $0x1400  }
0x43: {  	[sflag:s22] =	ssyncset.done $0x0  }
0x44: {  	[sflag:s22] =	ssyncadd.s32 $0xFFFFEC00  }
0x45: {  	_ =	swait.ge [sflag:s21], $0x1400  }
0x46: {  	[sflag:s21] =	ssyncset.done $0x0  }
0x47: {  	[sflag:s21] =	ssyncadd.s32 $0xFFFFEC00  }
0x48: {  	_ =	swait.ge [sflag:s22], $0x1400  }
0x49: {  	[sflag:s22] =	ssyncset.done $0x0  }
0x4a: {  	s31 =	sadd.s32 $0xFFFFFFF8, s7;
	[sflag:s22] =	ssyncadd.s32 $0xFFFFEC00  }
0x4b: {  	[hbm4b:s31+s23] =	stream.strided.scatter [tilespmem:s11], [sflag:$0x3], $0x6400, s24, s23, $0x38;
	[tilespmem:$0x11620] =	vst v63  }
0x4c: {  	_ =	swait.ge [sflag:s8], $0x6400  }
0x4d: {  	[sflag:s8] =	ssyncset.done $0x0  }
0x4e: {  	[sflag:s8] =	ssyncadd.s32 $0xFFFF9C00  }
0x4f: {  	[hbm4b:s7+s23] =	stream.strided.scatter [tilespmem:s12], [sflag:$0x3], $0x6400, s24, s23, $0x38;
	[tilespmem:$0x11620] =	vst v63  }
0x50: {  	s28 =	simm.s32 $0x640;
	_ =	swait.ge [sflag:s8], $0x6400  }
0x51: {  	s30 =	simm.s32 $0xC80;
	s26 =	sadd.s32 $0x1900, s7;
	[sflag:s8] =	ssyncset.done $0x0  }
.LBB2_2:
0x52: {  	s31 =	sshra.s32 s28, $0x2  }
0x53: {  	[sflag:s8] =	ssyncadd.s32 $0xFFFF9C00;
	s28 =	smov.u32 s30;
	s29 =	sadd.s32 $0x640, s30  }
0x54: {  	[tilespmem:s11], [sflag:$0x1] =	stream.indirect.gather [hbm4b:s3+s10], $0x40, s31, s10, $0xb8;
	[tilespmem:$0x11620] =	vst v63  }
0x55: {  	p0 =	sne.s32 s30, $0x9600;
	s30 =	sadd.s32 $0x2710, s31  }
0x56: {  	[tilespmem:s12], [sflag:$0x2] =	stream.indirect.gather [hbm4b:s3+s10], $0x40, s30, s10, $0xb8;
	[tilespmem:$0x11620] =	vst v63  }
0x57: {  	s30 =	sadd.s32 $0x50, s31  }
0x58: {  	[tilespmem:s13], [sflag:$0x1] =	stream.indirect.gather [hbm4b:s3+s10], $0x40, s30, s10, $0xb8;
	[tilespmem:$0x11620] =	vst v63  }
0x59: {  	s30 =	sadd.s32 $0x2760, s31  }
0x5a: {  	[tilespmem:s14], [sflag:$0x2] =	stream.indirect.gather [hbm4b:s3+s10], $0x40, s30, s10, $0xb8;
	[tilespmem:$0x11620] =	vst v63  }
0x5b: {  	s30 =	sadd.s32 $0xA0, s31  }
0x5c: {  	[tilespmem:s15], [sflag:$0x1] =	stream.indirect.gather [hbm4b:s3+s10], $0x40, s30, s10, $0xb8;
	[tilespmem:$0x11620] =	vst v63  }
0x5d: {  	s30 =	sadd.s32 $0x27B0, s31  }
0x5e: {  	[tilespmem:s16], [sflag:$0x2] =	stream.indirect.gather [hbm4b:s3+s10], $0x40, s30, s10, $0xb8;
	[tilespmem:$0x11620] =	vst v63  }
0x5f: {  	s30 =	sadd.s32 $0xF0, s31  }
0x60: {  	[tilespmem:s17], [sflag:$0x1] =	stream.indirect.gather [hbm4b:s3+s10], $0x40, s30, s10, $0xb8;
	[tilespmem:$0x11620] =	vst v63  }
0x61: {  	s30 =	sadd.s32 $0x2800, s31  }
0x62: {  	[tilespmem:s18], [sflag:$0x2] =	stream.indirect.gather [hbm4b:s3+s10], $0x40, s30, s10, $0xb8;
	[tilespmem:$0x11620] =	vst v63  }
0x63: {  	s30 =	sadd.s32 $0x140, s31  }
0x64: {  	[tilespmem:s19], [sflag:$0x1] =	stream.indirect.gather [hbm4b:s3+s10], $0x40, s30, s10, $0xb8;
	[tilespmem:$0x11620] =	vst v63  }
0x65: {  	s30 =	sadd.s32 $0x2850, s31  }
0x66: {  	[tilespmem:s20], [sflag:$0x2] =	stream.indirect.gather [hbm4b:s3+s10], $0x40, s30, s10, $0xb8;
	[tilespmem:$0x11620] =	vst v63  }
0x67: {  	_ =	swait.ge [sflag:s21], $0x1400  }
0x68: {  	[sflag:s21] =	ssyncset.done $0x0  }
0x69: {  	[sflag:s21] =	ssyncadd.s32 $0xFFFFEC00  }
0x6a: {  	_ =	swait.ge [sflag:s22], $0x1400  }
0x6b: {  	[sflag:s22] =	ssyncset.done $0x0  }
0x6c: {  	[sflag:s22] =	ssyncadd.s32 $0xFFFFEC00  }
0x6d: {  	_ =	swait.ge [sflag:s21], $0x1400  }
0x6e: {  	[sflag:s21] =	ssyncset.done $0x0  }
0x6f: {  	[sflag:s21] =	ssyncadd.s32 $0xFFFFEC00  }
0x70: {  	_ =	swait.ge [sflag:s22], $0x1400  }
0x71: {  	[sflag:s22] =	ssyncset.done $0x0  }
0x72: {  	[sflag:s22] =	ssyncadd.s32 $0xFFFFEC00  }
0x73: {  	_ =	swait.ge [sflag:s21], $0x1400  }
0x74: {  	[sflag:s21] =	ssyncset.done $0x0  }
0x75: {  	[sflag:s21] =	ssyncadd.s32 $0xFFFFEC00  }
0x76: {  	_ =	swait.ge [sflag:s22], $0x1400  }
0x77: {  	[sflag:s22] =	ssyncset.done $0x0  }
0x78: {  	[sflag:s22] =	ssyncadd.s32 $0xFFFFEC00  }
0x79: {  	_ =	swait.ge [sflag:s21], $0x1400  }
0x7a: {  	[sflag:s21] =	ssyncset.done $0x0  }
0x7b: {  	[sflag:s21] =	ssyncadd.s32 $0xFFFFEC00  }
0x7c: {  	_ =	swait.ge [sflag:s22], $0x1400  }
0x7d: {  	[sflag:s22] =	ssyncset.done $0x0  }
0x7e: {  	[sflag:s22] =	ssyncadd.s32 $0xFFFFEC00  }
0x7f: {  	_ =	swait.ge [sflag:s21], $0x1400  }
0x80: {  	[sflag:s21] =	ssyncset.done $0x0  }
0x81: {  	[sflag:s21] =	ssyncadd.s32 $0xFFFFEC00  }
0x82: {  	_ =	swait.ge [sflag:s22], $0x1400  }
0x83: {  	[sflag:s22] =	ssyncset.done $0x0  }
0x84: {  	s30 =	sadd.s32 $0xFFFFFFF8, s26;
	[sflag:s22] =	ssyncadd.s32 $0xFFFFEC00  }
0x85: {  	[hbm4b:s30+s23] =	stream.strided.scatter [tilespmem:s11], [sflag:$0x3], $0x6400, s24, s23, $0x38;
	[tilespmem:$0x11620] =	vst v63  }
0x86: {  	_ =	swait.ge [sflag:s8], $0x6400  }
.Ltmp0:
0x87: {  	[sflag:s8] =	ssyncset.done $0x0;
	(pc) =	sbr.rel @p0 .LBB2_2-.Ltmp0, $4  }
0x88: {  	[sflag:s8] =	ssyncadd.s32 $0xFFFF9C00  }
0x89: {  	[hbm4b:s26+s23] =	stream.strided.scatter [tilespmem:s12], [sflag:$0x3], $0x6400, s24, s23, $0x38;
	[tilespmem:$0x11620] =	vst v63  }
0x8a: {  	_ =	swait.ge [sflag:s8], $0x6400  }
0x8b: {  	s30 =	smov.u32 s29;
	s26 =	sadd.s32 $0x1900, s26;
	[sflag:s8] =	ssyncset.done $0x0  }
0x8c: {  	s28 =	sshra.s32 s28, $0x2;
	[sflag:s8] =	ssyncadd.s32 $0xFFFF9C00  }
0x8d: {  	[tilespmem:s11], [sflag:$0x1] =	stream.indirect.gather [hbm4b:s3+s10], $0x40, s28, s10, $0xb8;
	[tilespmem:$0x11620] =	vst v63  }
0x8e: {  	s29 =	sadd.s32 $0x2710, s28  }
0x8f: {  	[tilespmem:s12], [sflag:$0x2] =	stream.indirect.gather [hbm4b:s3+s10], $0x40, s29, s10, $0xb8;
	[tilespmem:$0x11620] =	vst v63  }
0x90: {  	s30 =	sadd.s32 $0x50, s28  }
0x91: {  	[tilespmem:s13], [sflag:$0x1] =	stream.indirect.gather [hbm4b:s3+s10], $0x40, s30, s10, $0xb8;
	[tilespmem:$0x11620] =	vst v63  }
0x92: {  	s31 =	sadd.s32 $0x2760, s28  }
0x93: {  	[tilespmem:s14], [sflag:$0x2] =	stream.indirect.gather [hbm4b:s3+s10], $0x40, s31, s10, $0xb8;
	[tilespmem:$0x11620] =	vst v63  }
0x94: {  	s30 =	sadd.s32 $0xA0, s28  }
0x95: {  	[tilespmem:s15], [sflag:$0x1] =	stream.indirect.gather [hbm4b:s3+s10], $0x40, s30, s10, $0xb8;
	[tilespmem:$0x11620] =	vst v63  }
0x96: {  	s31 =	sadd.s32 $0x27B0, s28  }
0x97: {  	[tilespmem:s16], [sflag:$0x2] =	stream.indirect.gather [hbm4b:s3+s10], $0x40, s31, s10, $0xb8;
	[tilespmem:$0x11620] =	vst v63  }
0x98: {  	s30 =	sadd.s32 $0xF0, s28  }
0x99: {  	[tilespmem:s17], [sflag:$0x1] =	stream.indirect.gather [hbm4b:s3+s10], $0x40, s30, s10, $0xb8;
	[tilespmem:$0x11620] =	vst v63  }
0x9a: {  	s31 =	sadd.s32 $0x2800, s28  }
0x9b: {  	[tilespmem:s18], [sflag:$0x2] =	stream.indirect.gather [hbm4b:s3+s10], $0x40, s31, s10, $0xb8;
	[tilespmem:$0x11620] =	vst v63  }
0x9c: {  	s30 =	sadd.s32 $0x140, s28  }
0x9d: {  	[tilespmem:s19], [sflag:$0x1] =	stream.indirect.gather [hbm4b:s3+s10], $0x40, s30, s10, $0xb8;
	[tilespmem:$0x11620] =	vst v63  }
0x9e: {  	s28 =	sadd.s32 $0x2850, s28  }
0x9f: {  	[tilespmem:s20], [sflag:$0x2] =	stream.indirect.gather [hbm4b:s3+s10], $0x40, s28, s10, $0xb8;
	[tilespmem:$0x11620] =	vst v63  }
0xa0: {  	_ =	swait.ge [sflag:s21], $0x1400  }
0xa1: {  	[sflag:s21] =	ssyncset.done $0x0  }
0xa2: {  	[sflag:s21] =	ssyncadd.s32 $0xFFFFEC00  }
0xa3: {  	_ =	swait.ge [sflag:s22], $0x1400  }
0xa4: {  	[sflag:s22] =	ssyncset.done $0x0  }
0xa5: {  	[sflag:s22] =	ssyncadd.s32 $0xFFFFEC00  }
0xa6: {  	_ =	swait.ge [sflag:s21], $0x1400  }
0xa7: {  	[sflag:s21] =	ssyncset.done $0x0  }
0xa8: {  	[sflag:s21] =	ssyncadd.s32 $0xFFFFEC00  }
0xa9: {  	_ =	swait.ge [sflag:s22], $0x1400  }
0xaa: {  	[sflag:s22] =	ssyncset.done $0x0  }
0xab: {  	[sflag:s22] =	ssyncadd.s32 $0xFFFFEC00  }
0xac: {  	_ =	swait.ge [sflag:s21], $0x1400  }
0xad: {  	[sflag:s21] =	ssyncset.done $0x0  }
0xae: {  	[sflag:s21] =	ssyncadd.s32 $0xFFFFEC00  }
0xaf: {  	_ =	swait.ge [sflag:s22], $0x1400  }
0xb0: {  	[sflag:s22] =	ssyncset.done $0x0  }
0xb1: {  	[sflag:s22] =	ssyncadd.s32 $0xFFFFEC00  }
0xb2: {  	_ =	swait.ge [sflag:s21], $0x1400  }
0xb3: {  	[sflag:s21] =	ssyncset.done $0x0  }
0xb4: {  	[sflag:s21] =	ssyncadd.s32 $0xFFFFEC00  }
0xb5: {  	_ =	swait.ge [sflag:s22], $0x1400  }
0xb6: {  	[sflag:s22] =	ssyncset.done $0x0  }
0xb7: {  	[sflag:s22] =	ssyncadd.s32 $0xFFFFEC00  }
0xb8: {  	_ =	swait.ge [sflag:s21], $0x1400  }
0xb9: {  	[sflag:s21] =	ssyncset.done $0x0  }
0xba: {  	[sflag:s21] =	ssyncadd.s32 $0xFFFFEC00  }
0xbb: {  	_ =	swait.ge [sflag:s22], $0x1400  }
0xbc: {  	[sflag:s22] =	ssyncset.done $0x0  }
0xbd: {  	s31 =	sadd.s32 $0xFFFFFFF8, s26;
	[sflag:s22] =	ssyncadd.s32 $0xFFFFEC00  }
0xbe: {  	[hbm4b:s31+s23] =	stream.strided.scatter [tilespmem:s11], [sflag:$0x3], $0x6400, s24, s23, $0x38;
	[tilespmem:$0x11620] =	vst v63  }
0xbf: {  	s25 =	sadd.s32 $0x1, s25;
	_ =	swait.ge [sflag:s8], $0x6400  }
0xc0: {  	p0 =	sne.s32 s25, s6;
	[sflag:s8] =	ssyncset.done $0x0  }
.Ltmp1:
0xc1: {  	[sflag:s8] =	ssyncadd.s32 $0xFFFF9C00;
	(pc) =	sbr.rel @p0 .LBB2_1-.Ltmp1, $4  }
0xc2: {  	[hbm4b:s26+s23] =	stream.strided.scatter [tilespmem:s12], [sflag:$0x3], $0x6400, s24, s23, $0x38;
	[tilespmem:$0x11620] =	vst v63  }
0xc3: {  	_ =	swait.ge [sflag:s8], $0x6400  }
0xc4: {  	[sflag:s8] =	ssyncset.done $0x0  }
0xc5: {  	[sflag:s8] =	ssyncadd.s32 $0xFFFF9C00  }
0xc6: {  	_ =	sfence.sel $0x180000  }
0xc7: {  	[bflag:$0x0] =	sbarrier.arrive $0xFFFF  }
0xc8: {  	p0 =	sne.s32 s1, $0x0;
	_ =	strace $0x9000004A  }
0xc9: {  	s0 =	sadd.s32 @!p0 $0x100000, s0;
	[bflag:$0x2] =	sbarrier.arrive $0xFFFF  }
0xca: {  	[sflag:s0] =	ssyncadd.tile.s32 @!p0 $0x1;
	_ =	shalt  }
.Lfunc_end2:
_tile_overlayer_lowered:
.L_overlay_start_2:
0xcb: {  	(tag) =	ssettag $0x2  }
0xcc: {  	s0 =	rddreg [dreg:$0x0];
	s2 =	stileid.u32  }
0xcd: {  	s1 =	rddreg [dreg:$0x1];
	p0 =	sne.s32 s2, $0x0  }
0xce: {  	s3 =	rddreg [dreg:$0x2];
	[bflag:$0x3] =	sbarrier.arrive $0xFFFF;
	s2 =	simm.s32 @!p0 $0x1C03  }
0xcf: {  	[timem:s3], [sflag:s2] =	dma.local @!p0 [hbm:s0], s1  }
0xd0: {  	s0 =	simm.s32 @!p0 $0x3  }
0xd1: {  	_ =	swait.ge @!p0 [sflag:s0], s1  }
0xd2: {  	s1 =	ssub.s32 @!p0 $0x0, s1;
	[sflag:s0] =	ssyncset.done @!p0 $0x0  }
0xd3: {  	[sflag:s0] =	ssyncadd.s32 @!p0 s1  }
0xd4: {  	[bflag:$0x3] =	sbarrier.arrive $0xFFFF  }
0xd5: {  	_ =	shalt  }

// kernel: sparse-core-data-format-call.cloned.1.call-start
scs
called_computation_lowered:
.L_overlay_start_0:
0x0: {  	s1 =	sld [smem:$0x3FD9]  }
0x1: {  	s2 =	sld [smem:$0x3FFE];
	_ =	sdelay $0x1  }
0x2: {  	s3 =	srdreg.scid  }
0x3: {  	s0 =	sand.u32 $0x1, s3  }
0x4: {  	s17 =	sshll.u32 s0, $0xA;
	s1 =	sadd.s32 s2, s1  }
0x5: {  	s1 =	sadd.s32 s1, s17  }
0x6: {  	[smem:$0x3FB8] =	sst s1  }
0x7: {  	_ = 	snop  }
0x8: {  	(tm) =	ssettm $0x1  }
0x9: {  	s18 =	sld [smem:$0x3FFB];
	_ =	sdelay $0x3  }
0xa: {  	_ =	strace s18  }
0xb: {  	s1 =	sld [smem:$0x3FFC];
	_ =	sdelay $0x3  }
0xc: {  	_ =	strace s1  }
0xd: {  	s1 =	sld [smem:$0x3FFD];
	_ =	sdelay $0x3  }
0xe: {  	_ =	strace s1  }
0xf: {  	_ =	strace $0x8FFFFFFF  }
0x10: {  	s19 =	sld [smem:$0x3FDB];
	_ =	sdelay $0x1  }
0x11: {  	s20 =	simm.s32 $_scs_section_size  }
0x12: {  	s4 =	simm.s32 $_size__tile_overlayer_lowered;
	s5 =	simm.s32 $_tile_overlayer_lowered  }
0x13: {  	s23 =	simm.s32 $0x1BFF;
	s22 =	sshll.u32 s5, $0x1;
	s1 =	sadd.s32 s20, s19  }
0x14: {  	s6 =	simm.s32 $0x0;
	s21 =	sshll.u32 s4, $0x1;
	s4 =	sadd.s32 s22, s1  }
0x15: {  	[timem:s6], [sflag:s23] =	dma.local [hbm:s4], s21  }
0x16: {  	_ =	swait.ge [sflag:s23], s21  }
0x17: {  	s2 =	ssub.s32 $0x0, s21;
	[sflag:s23] =	ssyncset.done $0x0  }
0x18: {  	[sflag:s23] =	ssyncadd.s32 s2;
	_ =	sdelay $0x1  }
0x19: {  	s24 =	simm.s32 $0x1B8B  }
0x1a: {  	_ =	swait.ge [sflag:s24], $0x1  }
0x1b: {  	[sflag:s24] =	ssyncset.done $0x0  }
0x1c: {  	s26 =	simm.s32 $0x1B8E;
	s25 =	sld [smem:$0x3FFE];
	[sflag:s24] =	ssyncadd.s32 $0xFFFFFFFF  }
0x1d: {  	s27 =	simm.s32 $execute0_lowered;
	[smem:$0x3FD2] =	sst s26  }
0x1e: {  	s4 =	sshll.u32 s27, $0x1;
	_ =	strace $0x80000046;
	[dreg:$0x1] =	wrdreg $0xFFFFFFFF  }
0x1f: {  	s28 =	simm.s32 $_size_execute0_lowered;
	s1 =	sadd.s32 s1, s4;
	[dreg:$0x0] =	wrdreg $0x0  }
0x20: {  	s4 =	sshll.u32 s28, $0x1;
	[dreg:$0x2] =	wrdreg s1  }
0x21: {  	[dreg:$0x3] =	wrdreg s4  }
0x22: {  	[dreg:$0x4] =	wrdreg $0xC0  }
0x23: {  	_ =	task [dreg:s6], $0x5FFFF  }
0x24: {  	[dreg:$0x1] =	wrdreg $0xFFFFFFFF  }
0x25: {  	[dreg:$0x0] =	wrdreg $0x60  }
0x26: {  	[dreg:$0x2] =	wrdreg s25  }
0x27: {  	[dreg:$0x3] =	wrdreg $0x9  }
0x28: {  	_ =	task.clear_ibuf [dreg:s6], $0x4FFFF;
	_ =	strace $0x90000046  }
0x29: {  	s29 =	simm.s32 $0x9;
	_ =	strace $0x80000048  }
0x2a: {  	_ =	swait.ge [sflag:s29], $0x1  }
0x2b: {  	[sflag:s29] =	ssyncadd.s32 $0xFFFFFFFF  }
0x2c: {  	_ =	strace $0x90000048  }
0x2d: {  	_ =	sfence  }
0x2e: {  	s30 =	sld [smem:$0x0];
	_ =	sdelay $0x2  }
0x2f: {  	s31 =	sshll.u32 s3, $0xD;
	s3 =	sshrl.u32 s3, $0x2  }
0x30: {  	s2 =	sand.u32 $0x4000, s31;
	s1 =	sadd.s32 s3, s30  }
0x31: {  	s0 =	sor.u32 s2, s0;
	s1 =	sshll.u32 s1, $0x11  }
0x32: {  	s0 =	sor.u32 s1, s0  }
0x33: {  	s0 =	sadd.s32 $0x8F2B, s0  }
0x34: {  	[sflag:s0] =	ssyncadd.remote.s32 $0x1  }
0x35: {  	_ =	sfence.sel $0xFFFF  }
0x36: {  	[dreg:$0x0] =	wrdreg $0xFFFFFFFF;
	(pc) =	sbr.abs _section_cstart, $3  }
0x37: {  	[dreg:$0x1] =	wrdreg $0xFFFFFFFF  }
0x38: {  	_ =	task.clear_ibuf [dreg:s6], $0x2FFFF;
	_ =	strace $0x9FFFFFFF  }
0x39: {  	(tm) =	ssettm $0x7FFFFFFF  }
tec
execute0_lowered:
.L_overlay_start_1:
0x0: {  	(tag) =	ssettag $0x1  }
0x1: {  	s0 =	srdreg.scid  }
0x2: {  	s5 =	rddreg [dreg:$0x0];
	s1 =	sshll.u32 s0, $0x4  }
0x3: {  	s4 =	simm.s32 $0x1;
	s0 =	stileid.u32;
	s1 =	sand.u32 $0x10, s1  }
0x4: {  	s8 =	simm.s32 $0x2;
	s12 =	simm.s32 $0x0;
	s2 =	sor.u32 s0, s1  }
0x5: {  	s11 =	simm.s32 $0x0;
	s9 =	simm.s32 $0x0;
	s2 =	sshll.u32 s2, $0x8  }
0x6: {  	s10 =	simm.s32 $0x0;
	s3 =	sadd.s32 $0x2E00, s5;
	s6 =	ssub.s32 $0x4E200, s2  }
.Ltmp0:
0x7: {  	s1 =	rddreg [dreg:$0x1];
	s7 =	sand.u32 $0x1F00, s6;
	(pc) =	sbr.rel .LBB1_1-.Ltmp0, $4  }
0x8: {  	_ =	strace $0x80000047;
	p0 =	sne.s32 s7, $0x0;
	s7 =	simm.s32 $0x1  }
0x9: {  	[sflag:s4] =	ssyncpa.u1 $0x0;
	s6 =	sshrl.u32 s6, $0xD;
	s7 =	simm.s32 @!p0 $0x0  }
0xa: {  	s5 =	sadd.s32 $0x189800, s5;
	[sflag:s8] =	ssyncpa.u1 $0x0;
	s6 =	sadd.s32 s7, s6  }
0xb: {  	s8 =	smov.u32 s2;
	p0 =	por $0x0, $0x0;
	s7 =	sadd.s32 $0x1, s6  }
.LBB1_4:
0xc: {  	[tilespmem:s16+$0x1 ss:$0x81] =	vst.msk $0xffff, v12;
	v8 =	vcombine.high v8, v10;
	v6 =	vperm.xlane.i2c.b16 v6;
	v50 =	vld [tilespmem:s15+$0x230];
	s12 =	sshll.u32 s12, $0x7;
	s14 =	sshll.u32 s11, $0x3  }
0xd: {  	[tilespmem:s16+$0x810 ss:$0x81] =	vst.msk $0xffff, v11;
	v51 =	vcombine.low v7, v9;
	v4 =	vperm.xlane.i2c.b16 v4;
	v52 =	vld [tilespmem:s15+$0x240];
	s17 =	sand.u32 $0xFFFFFC00, s12;
	s14 =	sand.u32 $0xFFFFFC00, s14  }
0xe: {  	v53 =	vcombine.high v7, v9;
	s27 =	sshll.u32 s11, $0x1;
	v54 =	vld [tilespmem:s15+$0x250];
	v0 =	vcombine.high v0, v1;
	s12 =	sand.u32 $0x300, s12;
	[tilespmem:s16+$0x811 ss:$0x81] =	vst.msk $0xffff, v8;
	s14 =	sadd.s32 s14, s17  }
0xf: {  	v5 =	vperm.xlane.i2c.b16 v5;
	v2 =	vperm.xlane.i2c.b16 v2;
	s28 =	sand.u32 $0x80, s27;
	[tilespmem:s16+$0x1020 ss:$0x81] =	vst.msk $0xffff, v51;
	s12 =	sor.u32 s12, s14  }
0x10: {  	v3 =	vperm.xlane.i2c.b16 v3;
	v55 =	vcombine.low v6, v4;
	[tilespmem:s13+$0x3061 ss:$0x81] =	vst.msk $0xffff, v0;
	s12 =	sor.u32 s28, s12  }
0x11: {  	v4 =	vcombine.high v6, v4;
	v56 =	vcombine.low v5, v2;
	[tilespmem:s16+$0x1021 ss:$0x81] =	vst.msk $0xffff, v53;
	s12 =	sshrl.u32 s12, $0x7  }
0x12: {  	v2 =	vcombine.high v5, v2;
	[tilespmem:s16+$0x1830 ss:$0x81] =	vst.msk $0xffff, v55;
	v57 =	vperm.xlane.i2c.b16 v50;
	s29 =	smulhi.u32 $0x1A36E2F, s12  }
0x13: {  	[tilespmem:s16+$0x2040 ss:$0x81] =	vst.msk $0xffff, v56;
	v58 =	vperm.xlane.i2c.b16 v52;
	v60 =	vperm.xlane.i2c.b16 v54  }
0x14: {  	[tilespmem:s16+$0x1831 ss:$0x81] =	vst.msk $0xffff, v4;
	v59 =	vcombine.low v3, v57;
	s14 =	sshrl.u32 s29, $0xB  }
0x15: {  	[tilespmem:s16+$0x2041 ss:$0x81] =	vst.msk $0xffff, v2;
	v62 =	vcombine.low v58, v60;
	s14 =	smul.u32 $0x4E200, s14  }
0x16: {  	s30 =	sshrl.u32 s11, $0x3;
	v61 =	vcombine.high v3, v57;
	[tilespmem:s16+$0x2850 ss:$0x81] =	vst.msk $0xffff, v59  }
0x17: {  	s13 =	sand.u32 $0x7, s30;
	v63 =	vcombine.high v58, v60;
	[tilespmem:s16+$0x3060 ss:$0x81] =	vst.msk $0xffff, v62;
	s12 =	ssub.s32 s12, s14  }
0x18: {  	s13 =	sadd.s32 s5, s13;
	[tilespmem:s16+$0x2851 ss:$0x81] =	vst.msk $0xffff, v61;
	s12 =	sshll.u32 s12, $0x3  }
0x19: {  	s31 =	sand.u32 $0x7, s11;
	[tilespmem:s16+$0x3061 ss:$0x81] =	vst.msk $0xffff, v63;
	s12 =	sadd.s32 s12, s13  }
0x1a: {  	[hbm4b:s12+s31] =	stream.linear.scatter [tilespmem:s18], [sflag:$0x2], $0x4000, $0x20;
	[tilespmem:$0x10100] =	vst v63  }
.LBB1_5:
0x1b: {  	s13 =	sadd.s32 $0x2000, s8  }
0x1c: {  	s11 =	sadd.s32 $0x80, s9;
	s15 =	smov.u32 s9;
	p2 =	sgt.s32 s13, $0x4E1FF  }
0x1d: {  	s15 =	smov.u32 @p2 s11  }
0x1e: {  	s13 =	smov.u32 @p2 s2;
	p2 =	sgt.s32 s15, $0x4F  }
0x1f: {  	s15 =	simm.s32 @p2 $0x0;
	p2 =	sne.s32 s10, s7  }
.Ltmp1:
0x20: {  	p1 =	slt.u32 s10, $0x2;
	(pc) =	sbr.rel @!p2 .LBB1_6-.Ltmp1, $4  }
0x21: {  	s14 =	simm.s32 @!p1 $0x2  }
0x22: {  	s12 =	smov.u32 s8;
	p0 =	por !p0, !p0;
	_ =	swait.ge @!p1 [sflag:s14], $0x4000  }
0x23: {  	s11 =	smov.u32 s9;
	[sflag:s14] =	ssyncset.done @!p1 $0x0;
	s8 =	smov.u32 s13  }
0x24: {  	s10 =	sadd.s32 $0x1, s10;
	[sflag:s14] =	ssyncadd.s32 @!p1 $0xFFFFC000;
	s9 =	smov.u32 s15  }
.LBB1_1:
0x25: {  	p1 =	sge.u32 s10, s6;
	s18 =	smov.u32 s8  }
0x26: {  	s13 =	sshrl.u32 @!p1 s9, $0x3;
	s14 =	sand.u32 @!p1 $0x1, s9;
	s15 =	sshll.u32 @!p1 s8, $0x3  }
0x27: {  	s16 =	sshll.u32 @!p1 s9, $0x7;
	s17 =	sshll.u32 @!p1 s8, $0x1;
	s13 =	smul.u32 @!p1 $0x271000, s13  }
0x28: {  	p2 =	sgt.s32 @!p1 s9, $0xFFFFFFD0;
	s19 =	sshra.s32 @!p1 s8, $0x1F;
	s15 =	sand.u32 @!p1 $0xFFFFFC00, s15  }
0x29: {  	s13 =	sadd.s32 @!p1 s13, s15;
	s15 =	sand.u32 @!p1 $0x300, s16;
	s16 =	sand.u32 @!p1 $0xFE, s17  }
0x2a: {  	p2 =	por !p2, p1;
	s13 =	sor.u32 @!p1 s15, s13;
	s14 =	sor.u32 @!p1 s14, s16  }
0x2b: {  	s17 =	sshra.s32 @!p1 s9, $0x1F;
	s16 =	smov.u32 s9;
	s14 =	sor.u32 @!p1 s13, s14  }
0x2c: {  	s13 =	smulhi.u32 @!p1 $0xD1B71759, s13;
	s16 =	simm.s32 @p2 $0xFFFFFFD0;
	p2 =	sgt.s32 @!p1 s8, $0x4E100  }
0x2d: {  	s17 =	sand.u32 @!p1 s17, s9;
	s15 =	smulhi.u32 @!p1 $0xD1B71759, s14;
	p2 =	por !p2, p1  }
0x2e: {  	s16 =	ssub.s32 @!p1 s16, s17;
	s17 =	sand.u32 @!p1 s19, s8;
	s18 =	simm.s32 @p2 $0x4E100  }
0x2f: {  	s13 =	sshrl.u32 @!p1 s13, $0x12;
	s19 =	sadd.s32 @!p1 $0x30, s16;
	s16 =	ssub.s32 @!p1 $0x50, s16  }
0x30: {  	s17 =	ssub.s32 @!p1 s18, s17;
	s18 =	smul.u32 @!p1 $0xCCD, s13;
	p2 =	sgt.s32 @!p1 s19, $0x7F  }
0x31: {  	s15 =	sshrl.u32 @!p1 s15, $0x12;
	s19 =	sadd.s32 @!p1 $0xFFFB1F00, s17;
	p2 =	por !p2, p1  }
0x32: {  	s17 =	ssub.s32 @!p1 $0x4E200, s17;
	p3 =	sgt.s32 @!p1 s19, $0xFF;
	s18 =	sshrl.u32 @!p1 s18, $0x12  }
0x33: {  	s16 =	simm.s32 @!p2 $0x0;
	s18 =	smul.u32 @!p1 $0x50, s18;
	p2 =	por !p3, p1  }
0x34: {  	s15 =	smul.u32 @!p1 $0x4E200, s15;
	s17 =	simm.s32 @!p2 $0x0  }
0x35: {  	s31 =	sadd.s32 $0xFFFFFFFF, s10;
	s13 =	ssub.s32 @!p1 s13, s18;
	s16 =	smul.u32 @!p1 s16, s17  }
0x36: {  	s14 =	ssub.s32 @!p1 s14, s15;
	s17 =	sxor.u32 @!p1 $0xFFFFFFFF, s10;
	s13 =	sand.u32 @!p1 $0xFFFF, s13  }
0x37: {  	s15 =	sshrl.u32 @!p1 s16, $0x1;
	s13 =	smul.u32 @!p1 $0x4E20, s13;
	s16 =	sshrl.u32 @!p1 s14, $0x4  }
0x38: {  	s14 =	sshll.u32 @!p1 s14, $0x11;
	s15 =	sand.u32 @!p1 $0x3FFFFFFF, s15;
	s16 =	sadd.s32 @!p1 s3, s16  }
0x39: {  	s14 =	sand.u32 @!p1 $0x1C0000, s14;
	s13 =	sadd.s32 @!p1 s13, s16;
	s16 =	sshll.u32 @!p1 s17, $0xE  }
0x3a: {  	s14 =	sor.u32 @!p1 $0x400, s14;
	s17 =	simm.s32 @!p1 $0x138800;
	s16 =	sand.u32 @!p1 $0x4000, s16  }
0x3b: {  	[tilespmem:s16], [sflag:$0x1] =	stream.strided.gather @!p1 [hbm4b:s13+s14], s15, s17, s14, $0x38;
	[tilespmem:$0x10100] =	vst v63  }
0x3c: {  	p1 =	sge.u32 s31, s6  }
.Ltmp2:
0x3d: {  	_ = 	snop;
	(pc) =	sbr.rel @p1 .LBB1_5-.Ltmp2, $1  }
0x3e: {  	_ =	sdelay $0x3  }
0x3f: {  	p1 =	sgt.s32 s11, $0xFFFFFFD0  }
0x40: {  	s13 =	smov.u32 s11;
	s14 =	sshra.s32 s11, $0x1F;
	s15 =	smov.u32 s12  }
0x41: {  	s16 =	sshra.s32 s12, $0x1F;
	s13 =	simm.s32 @!p1 $0xFFFFFFD0;
	p1 =	sgt.s32 s12, $0x4E100  }
0x42: {  	s14 =	sand.u32 s14, s11;
	s25 =	sand.u32 s16, s12;
	s15 =	simm.s32 @!p1 $0x4E100  }
0x43: {  	s13 =	ssub.s32 s13, s14;
	s14 =	ssub.s32 s15, s25  }
0x44: {  	s26 =	sadd.s32 $0x30, s13;
	s13 =	ssub.s32 $0x50, s13;
	s15 =	sadd.s32 $0xFFFB1F00, s14  }
0x45: {  	p1 =	sgt.s32 s26, $0x7F;
	s14 =	ssub.s32 $0x4E200, s14;
	p2 =	sgt.s32 s15, $0xFF  }
0x46: {  	s13 =	simm.s32 @p1 $0x0;
	s14 =	simm.s32 @p2 $0x0  }
0x47: {  	s13 =	smul.u32 s13, s14;
	_ =	sdelay $0x1  }
0x48: {  	s17 =	simm.s32 $0x0;
	s13 =	sshrl.u32 s13, $0x1  }
0x49: {  	s27 =	sand.u32 $0x1, s10;
	s29 =	sand.u32 $0x3C00, s17;
	s13 =	sand.u32 $0x3FFFFFFF, s13  }
0x4a: {  	s17 =	sand.u32 $0x180, s17;
	s14 =	sshll.u32 s27, $0xE;
	_ =	swait.ge [sflag:s4], s13  }
0x4b: {  	s28 =	ssub.s32 $0x0, s13;
	s13 =	sadd.s32 s29, s14;
	[sflag:s4] =	ssyncset.done $0x0  }
0x4c: {  	s18 =	sadd.s32 s17, s13;
	[sflag:s4] =	ssyncadd.s32 s28  }
0x4d: {  	v0 =	vld [tilespmem:s18+$0x260]  }
0x4e: {  	v1 =	vld [tilespmem:s18+$0x270]  }
0x4f: {  	v2 =	vld [tilespmem:s18+$0x0]  }
0x50: {  	v3 =	vld [tilespmem:s18+$0x10]  }
0x51: {  	v4 =	vld [tilespmem:s18+$0x20]  }
0x52: {  	s13 =	simm.s32 $0x1;
	v5 =	vld [tilespmem:s18+$0x30]  }
0x53: {  	s13 =	simm.s32 @!p0 $0x0;
	v6 =	vld [tilespmem:s18+$0x40]  }
0x54: {  	s13 =	smul.u32 $0x10200, s13;
	v7 =	vld [tilespmem:s18+$0x50];
	v1 =	vperm.xlane.i2c.b16 v1;
	v0 =	vperm.xlane.i2c.b16 v0  }
0x55: {  	v8 =	vld [tilespmem:s18+$0x60];
	v2 =	vperm.xlane.i2c.b16 v2;
	v3 =	vperm.xlane.i2c.b16 v3  }
0x56: {  	v10 =	vld [tilespmem:s18+$0x70];
	s13 =	sshrl.u32 s13, $0x2;
	v9 =	vcombine.low v0, v1;
	v0 =	vcombine.high v0, v1  }
0x57: {  	s13 =	sor.u32 $0x8000, s13;
	v1 =	vperm.xlane.i2c.b16 v5;
	v5 =	vld [tilespmem:s18+$0x200];
	v11 =	vcombine.low v2, v3  }
0x58: {  	v4 =	vperm.xlane.i2c.b16 v4;
	v2 =	vcombine.high v2, v3;
	v3 =	vld [tilespmem:s18+$0x210];
	[tilespmem:s13+$0x3870 ss:$0x81] =	vst.msk $0xffff, v9  }
0x59: {  	s30 =	simm.s32 $0x100;
	v6 =	vperm.xlane.i2c.b16 v6;
	v7 =	vperm.xlane.i2c.b16 v7;
	v9 =	vld [tilespmem:s18+$0x220];
	[tilespmem:s13+$0x0 ss:$0x81] =	vst.msk $0xffff, v11  }
0x5a: {  	s15 =	sand.u32 $0x3C00, s30;
	s17 =	simm.s32 $0x80;
	[tilespmem:s13+$0x3871 ss:$0x81] =	vst.msk $0xffff, v0;
	v0 =	vcombine.low v4, v1;
	v1 =	vcombine.high v4, v1;
	v4 =	vld [tilespmem:s18+$0x230]  }
0x5b: {  	s15 =	sadd.s32 s15, s14;
	s19 =	sand.u32 $0x180, s17;
	[tilespmem:s13+$0x1 ss:$0x81] =	vst.msk $0xffff, v2;
	v2 =	vperm.xlane.i2c.b16 v8;
	v8 =	vperm.xlane.i2c.b16 v10;
	v10 =	vld [tilespmem:s18+$0x240]  }
0x5c: {  	s15 =	sadd.s32 s19, s15;
	[tilespmem:s13+$0x810 ss:$0x81] =	vst.msk $0xffff, v0;
	v0 =	vcombine.low v6, v7;
	v6 =	vcombine.high v6, v7;
	v7 =	vld [tilespmem:s18+$0x250]  }
0x5d: {  	v11 =	vcombine.low v2, v8;
	v2 =	vcombine.high v2, v8;
	v8 =	vld [tilespmem:s15+$0x0];
	[tilespmem:s13+$0x811 ss:$0x81] =	vst.msk $0xffff, v1  }
0x5e: {  	v1 =	vperm.xlane.i2c.b16 v5;
	v5 =	vld [tilespmem:s15+$0x260];
	[tilespmem:s13+$0x1020 ss:$0x81] =	vst.msk $0xffff, v0;
	v0 =	vperm.xlane.i2c.b16 v3  }
0x5f: {  	v3 =	vld [tilespmem:s15+$0x270];
	[tilespmem:s13+$0x1021 ss:$0x81] =	vst.msk $0xffff, v6;
	v6 =	vperm.xlane.i2c.b16 v9  }
0x60: {  	[tilespmem:s13+$0x1830 ss:$0x81] =	vst.msk $0xffff, v11;
	v11 =	vld [tilespmem:s15+$0x10];
	v4 =	vperm.xlane.i2c.b16 v4;
	v9 =	vcombine.low v1, v0  }
0x61: {  	v12 =	vcombine.high v1, v0;
	v0 =	vperm.xlane.i2c.b16 v10  }
0x62: {  	[tilespmem:s13+$0x1831 ss:$0x81] =	vst.msk $0xffff, v2;
	v2 =	vld [tilespmem:s15+$0x20];
	v10 =	vcombine.low v6, v4;
	v1 =	vperm.xlane.i2c.b16 v7  }
0x63: {  	v7 =	vld [tilespmem:s15+$0x30];
	v4 =	vcombine.high v6, v4;
	[tilespmem:s13+$0x2040 ss:$0x81] =	vst.msk $0xffff, v9;
	v5 =	vperm.xlane.i2c.b16 v5  }
0x64: {  	v9 =	vld [tilespmem:s15+$0x40];
	[tilespmem:s13+$0x2041 ss:$0x81] =	vst.msk $0xffff, v12;
	v3 =	vperm.xlane.i2c.b16 v3;
	v12 =	vperm.xlane.i2c.b16 v8  }
0x65: {  	v13 =	vld [tilespmem:s15+$0x50];
	[tilespmem:s13+$0x2850 ss:$0x81] =	vst.msk $0xffff, v10;
	v10 =	vcombine.low v0, v1;
	v11 =	vperm.xlane.i2c.b16 v11  }
0x66: {  	v6 =	vld [tilespmem:s15+$0x60];
	[tilespmem:s13+$0x2851 ss:$0x81] =	vst.msk $0xffff, v4;
	v14 =	vcombine.low v5, v3  }
0x67: {  	s31 =	smul.u32 $0x10200, s27;
	s16 =	sadd.s32 $0x2, s13;
	v8 =	vperm.xlane.i2c.b16 v2;
	v4 =	vld [tilespmem:s15+$0x70];
	[tilespmem:s13+$0x3060 ss:$0x81] =	vst.msk $0xffff, v10;
	v15 =	vcombine.low v12, v11  }
0x68: {  	v3 =	vcombine.high v5, v3;
	v5 =	vld [tilespmem:s15+$0x200];
	v10 =	vperm.xlane.i2c.b16 v7;
	[tilespmem:s16+$0x3870 ss:$0x81] =	vst.msk $0xffff, v14  }
0x69: {  	s18 =	sshrl.u32 s31, $0x2;
	v2 =	vld [tilespmem:s15+$0x210];
	v12 =	vcombine.high v12, v11;
	v7 =	vperm.xlane.i2c.b16 v9;
	[tilespmem:s16+$0x0 ss:$0x81] =	vst.msk $0xffff, v15  }
0x6a: {  	s20 =	simm.s32 $0x200;
	s19 =	simm.s32 $0x2;
	s18 =	sor.u32 $0x8000, s18;
	v9 =	vperm.xlane.i2c.b16 v13;
	[tilespmem:s16+$0x3871 ss:$0x81] =	vst.msk $0xffff, v3;
	v11 =	vcombine.low v8, v10;
	v3 =	vld [tilespmem:s15+$0x220]  }
.LBB1_3:
0x6b: {  	s21 =	sand.u32 $0x3C00, s20;
	[tilespmem:s16+$0x1 ss:$0x81] =	vst.msk $0xffff, v12;
	v8 =	vcombine.high v8, v10;
	v6 =	vperm.xlane.i2c.b16 v6;
	v10 =	vld [tilespmem:s15+$0x230];
	s17 =	sadd.s32 $0x80, s17  }
0x6c: {  	v4 =	vperm.xlane.i2c.b16 v4;
	s22 =	sand.u32 $0x180, s17;
	s21 =	sadd.s32 s21, s14;
	[tilespmem:s16+$0x810 ss:$0x81] =	vst.msk $0xffff, v11;
	v11 =	vcombine.low v7, v9;
	v12 =	vld [tilespmem:s15+$0x240]  }
0x6d: {  	s19 =	sadd.s32 $0x2, s19;
	v5 =	vperm.xlane.i2c.b16 v5;
	v7 =	vcombine.high v7, v9;
	[tilespmem:s16+$0x811 ss:$0x81] =	vst.msk $0xffff, v8;
	v8 =	vld [tilespmem:s15+$0x250];
	s15 =	sadd.s32 s22, s21  }
0x6e: {  	v2 =	vperm.xlane.i2c.b16 v2;
	p1 =	slt.u32 s19, $0x7E;
	v9 =	vld [tilespmem:s15+$0x260];
	[tilespmem:s16+$0x1020 ss:$0x81] =	vst.msk $0xffff, v11;
	v11 =	vcombine.low v6, v4  }
0x6f: {  	v3 =	vperm.xlane.i2c.b16 v3;
	v4 =	vcombine.high v6, v4;
	v13 =	vld [tilespmem:s15+$0x270];
	[tilespmem:s16+$0x1021 ss:$0x81] =	vst.msk $0xffff, v7  }
0x70: {  	v7 =	vcombine.low v5, v2;
	v6 =	vld [tilespmem:s15+$0x0];
	[tilespmem:s16+$0x1830 ss:$0x81] =	vst.msk $0xffff, v11;
	v10 =	vperm.xlane.i2c.b16 v10  }
0x71: {  	v2 =	vcombine.high v5, v2;
	v11 =	vld [tilespmem:s15+$0x10];
	[tilespmem:s16+$0x1831 ss:$0x81] =	vst.msk $0xffff, v4;
	v4 =	vperm.xlane.i2c.b16 v12  }
0x72: {  	v5 =	vld [tilespmem:s15+$0x20];
	[tilespmem:s16+$0x2040 ss:$0x81] =	vst.msk $0xffff, v7;
	v7 =	vcombine.low v3, v10;
	v8 =	vperm.xlane.i2c.b16 v8  }
0x73: {  	v12 =	vld [tilespmem:s15+$0x30];
	[tilespmem:s16+$0x2041 ss:$0x81] =	vst.msk $0xffff, v2;
	v2 =	vcombine.high v3, v10;
	v3 =	vcombine.high v0, v1;
	v0 =	vmov v4  }
0x74: {  	v9 =	vperm.xlane.i2c.b16 v9;
	v14 =	vld [tilespmem:s15+$0x40];
	v10 =	vperm.xlane.i2c.b16 v13;
	[tilespmem:s16+$0x2850 ss:$0x81] =	vst.msk $0xffff, v7;
	v1 =	vmov v8  }
0x75: {  	v7 =	vperm.xlane.i2c.b16 v6;
	v13 =	vld [tilespmem:s15+$0x50];
	[tilespmem:s16+$0x2851 ss:$0x81] =	vst.msk $0xffff, v2;
	v2 =	vcombine.low v0, v1  }
.Ltmp3:
0x76: {  	v11 =	vperm.xlane.i2c.b16 v11;
	v6 =	vld [tilespmem:s15+$0x60];
	v15 =	vcombine.low v9, v10;
	[tilespmem:s13+$0x3061 ss:$0x81] =	vst.msk $0xffff, v3;
	s13 =	smov.u32 s16;
	(pc) =	sbr.rel @p1 .LBB1_3-.Ltmp3, $4  }
0x77: {  	v3 =	vcombine.high v9, v10;
	s16 =	sadd.s32 $0x2, s16;
	v8 =	vperm.xlane.i2c.b16 v5;
	v4 =	vld [tilespmem:s15+$0x70];
	[tilespmem:s13+$0x3060 ss:$0x81] =	vst.msk $0xffff, v2  }
0x78: {  	v9 =	vcombine.low v7, v11;
	v10 =	vperm.xlane.i2c.b16 v12;
	v5 =	vld [tilespmem:s15+$0x200];
	[tilespmem:s16+$0x3870 ss:$0x81] =	vst.msk $0xffff, v15  }
0x79: {  	v12 =	vcombine.high v7, v11;
	v7 =	vperm.xlane.i2c.b16 v14;
	v2 =	vld [tilespmem:s15+$0x210];
	[tilespmem:s16+$0x3871 ss:$0x81] =	vst.msk $0xffff, v3  }
0x7a: {  	s20 =	sadd.s32 $0x100, s20;
	[tilespmem:s16+$0x0 ss:$0x81] =	vst.msk $0xffff, v9;
	v11 =	vcombine.low v8, v10;
	v9 =	vperm.xlane.i2c.b16 v13;
	v3 =	vld [tilespmem:s15+$0x220]  }
.Ltmp4:
0x7b: {  	_ = 	snop;
	(pc) =	sbr.rel .LBB1_4-.Ltmp4, $1  }
0x7c: {  	_ =	sdelay $0x3  }
.LBB1_6:
0x7d: {  	_ =	sfence.sel $0x180000  }
0x7e: {  	s2 =	simm.s32 $0x1;
	[bflag:$0x0] =	sbarrier.arrive $0xFFFF  }
0x7f: {  	s31 =	simm.s32 $0x2;
	[sflag:s2] =	ssyncpa.u1 $0x1  }
0x80: {  	[sflag:s31] =	ssyncpa.u1 $0x1  }
0x81: {  	p0 =	sne.s32 s0, $0x0;
	_ =	strace $0x90000047  }
0x82: {  	s0 =	sadd.s32 @!p0 $0x100000, s1;
	[bflag:$0x2] =	sbarrier.arrive $0xFFFF  }
0x83: {  	[sflag:s0] =	ssyncadd.tile.s32 @!p0 $0x1;
	_ =	shalt  }
.Lfunc_end1:
_tile_overlayer_lowered:
.L_overlay_start_2:
0x84: {  	(tag) =	ssettag $0x2  }
0x85: {  	s0 =	rddreg [dreg:$0x0];
	s2 =	stileid.u32  }
0x86: {  	s1 =	rddreg [dreg:$0x1];
	p0 =	sne.s32 s2, $0x0  }
0x87: {  	s3 =	rddreg [dreg:$0x2];
	[bflag:$0x3] =	sbarrier.arrive $0xFFFF;
	s2 =	simm.s32 @!p0 $0x1C01  }
0x88: {  	[timem:s3], [sflag:s2] =	dma.local @!p0 [hbm:s0], s1  }
0x89: {  	s0 =	simm.s32 @!p0 $0x1  }
0x8a: {  	_ =	swait.ge @!p0 [sflag:s0], s1  }
0x8b: {  	s1 =	ssub.s32 @!p0 $0x0, s1;
	[sflag:s0] =	ssyncset.done @!p0 $0x0  }
0x8c: {  	[sflag:s0] =	ssyncadd.s32 @!p0 s1  }
0x8d: {  	[bflag:$0x3] =	sbarrier.arrive $0xFFFF  }
0x8e: {  	_ =	shalt  }

</sc_bundles>
